<compile_context>
chip_gen: v7x
topology: tpu7x:2x2x1
jax: 0.10.2.dev20260603
libtpu: 0.0.44.dev20260713+nightly
codegen_flags: <defaults>
</compile_context>

<pallas_src>
import functools

import jax
import jax.numpy as jnp
from jax import lax
from jax.experimental import pallas as pl
from jax.experimental.pallas import tpu as pltpu
from jax.experimental.pallas import tpu_sc as plsc


def _sc_aggregate(x, edge_index, n_nodes, n_edges, d):
    info = plsc.get_sparse_core_info()
    nc, ns = info.num_cores, info.num_subcores
    nw = nc * ns

    epw = n_edges // nw
    chunk = 40
    n_chunks = epw // chunk
    nbuf = 5
    grp = 50
    n_grps = n_chunks // grp
    n_rounds = grp // nbuf
    assert epw % chunk == 0 and n_edges % nw == 0
    assert n_chunks % grp == 0 and grp % nbuf == 0 and n_rounds >= 2
    rows_blk = (n_nodes // ns) // 8 * 8
    tail = n_nodes - ns * rows_blk
    zblk = 16
    assert rows_blk % zblk == 0 and zblk % 8 == 0 and tail % 8 == 0
    assert tail <= zblk

    mesh = plsc.VectorSubcoreMesh(core_axis_name="c", subcore_axis_name="s")

    @functools.partial(
        pl.kernel,
        mesh=mesh,
        out_type=jax.ShapeDtypeStruct((nc, n_nodes, d), jnp.float32),
        scratch_types=(
            [
                pltpu.VMEM((grp, chunk), jnp.int32),
                pltpu.VMEM((grp, chunk), jnp.int32),
            ]
            + [pltpu.VMEM((chunk, d), jnp.float32) for _ in range(nbuf)]
            + [
                pltpu.VMEM_SHARED((n_nodes, d), jnp.float32),
                pltpu.VMEM((zblk, d), jnp.float32),
            ]
            + [pltpu.SemaphoreType.DMA for _ in range(2 * nbuf + 1)]
        ),
    )
    def agg_kernel(x_hbm, e_hbm, out_hbm, src_v, dst_v, *rest):
        bufs = rest[:nbuf]
        acc_sh = rest[nbuf]
        zero_v = rest[nbuf + 1]
        gsem = rest[nbuf + 2:2 * nbuf + 2]
        ssem = rest[2 * nbuf + 2:3 * nbuf + 2]
        zsem = rest[3 * nbuf + 2]
        c = lax.axis_index("c")
        s = lax.axis_index("s")
        wid = s * nc + c

        zvec = jnp.zeros((16,), jnp.float32)
        stores_per_row = d // 16

        def zbody(i, _):
            r = i // stores_per_row
            col = (i % stores_per_row) * 16
            zero_v[r, pl.ds(col, 16)] = zvec
            return 0

        lax.fori_loop(0, zblk * stores_per_row, zbody, 0)
        nz = rows_blk // zblk
        for b in range(nz):
            pltpu.async_copy(zero_v,
                             acc_sh.at[pl.ds(s * rows_blk + b * zblk, zblk)],
                             zsem)
        if tail:
            @pl.when(s == 0)
            def _():
                pltpu.sync_copy(zero_v.at[pl.ds(0, tail)],
                                acc_sh.at[pl.ds(ns * rows_blk, tail)])

        def start_gather(i, b):
            pltpu.async_copy(x_hbm.at[src_v.at[i]], bufs[b], gsem[b])

        def wait_gather(b):
            pltpu.make_async_copy(x_hbm.at[pl.ds(0, chunk)], bufs[b],
                                  gsem[b]).wait()

        def start_scatter(i, b):
            pltpu.async_copy(bufs[b], acc_sh.at[dst_v.at[i]], ssem[b],
                             add=True)

        def wait_scatter(b):
            pltpu.make_async_copy(bufs[b], acc_sh.at[pl.ds(0, chunk)],
                                  ssem[b]).wait()

        for b in range(nz):
            pltpu.make_async_copy(
                zero_v, acc_sh.at[pl.ds(s * rows_blk + b * zblk, zblk)],
                zsem).wait()
        plsc.subcore_barrier()

        def group(g, _):
            pltpu.sync_copy(e_hbm.at[0, wid, g], src_v)
            pltpu.sync_copy(e_hbm.at[1, wid, g], dst_v)
            for b in range(nbuf):
                start_gather(b, b)

            def round_(r, _):
                i0 = r * nbuf
                for b in range(nbuf):
                    wait_gather(b)
                    start_scatter(i0 + b, b)
                for b in range(nbuf):
                    wait_scatter(b)
                    start_gather(i0 + nbuf + b, b)
                return 0

            lax.fori_loop(0, n_rounds - 1, round_, 0)
            i0 = (n_rounds - 1) * nbuf
            for b in range(nbuf):
                wait_gather(b)
                start_scatter(i0 + b, b)
            for b in range(nbuf):
                wait_scatter(b)
            return 0

        lax.fori_loop(0, n_grps, group, 0)
        plsc.subcore_barrier()

        pltpu.sync_copy(
            acc_sh.at[pl.ds(s * rows_blk, rows_blk)],
            out_hbm.at[c, pl.ds(s * rows_blk, rows_blk)],
        )
        if tail:
            @pl.when(s == 0)
            def _():
                pltpu.sync_copy(
                    acc_sh.at[pl.ds(ns * rows_blk, tail)],
                    out_hbm.at[c, pl.ds(ns * rows_blk, tail)],
                )

    e5 = edge_index.reshape(2, nw, n_grps, grp, chunk)
    return agg_kernel(x, e5)


_row_spec = lambda shape: pl.BlockSpec(shape, lambda i: (i, 0))
_full_spec = lambda shape: pl.BlockSpec(shape, lambda i: (0, 0))


def _tc_pre(x, W_root, b_rel, blk):
    n, d_in = x.shape

    def body(xr, wroot, brel, out):
        out[...] = (jnp.dot(xr[...], wroot[...],
                            preferred_element_type=jnp.float32) + brel[...])

    return pl.pallas_call(
        body,
        grid=(n // blk,),
        in_specs=[
            _row_spec((blk, d_in)),
            _full_spec((d_in, d_in)),
            _full_spec((1, d_in)),
        ],
        out_specs=_row_spec((blk, d_in)),
        out_shape=jax.ShapeDtypeStruct((n, d_in), jnp.float32),
    )(x, W_root, b_rel.reshape(1, -1))


def _tc_post(parts, pre, W_rel, W1, b1, W2, b2, blk):
    n, d_in = pre.shape
    d_hid = W1.shape[1]
    d_out = W2.shape[1]

    def body(pa, pr, wrel, w1, b1r, w2, b2r, out):
        agg = pa[0] + pa[1]
        h = jnp.dot(agg, wrel[...], preferred_element_type=jnp.float32)
        h += pr[...]
        h2 = jnp.dot(h, w1[...], preferred_element_type=jnp.float32) + b1r[...]
        h2 = jnp.maximum(h2, 0.0)
        o = jnp.dot(h2, w2[...], preferred_element_type=jnp.float32) + b2r[...]
        out[...] = jax.nn.sigmoid(o)

    return pl.pallas_call(
        body,
        grid=(n // blk,),
        in_specs=[
            pl.BlockSpec((2, blk, d_in), lambda i: (0, i, 0)),
            _row_spec((blk, d_in)),
            _full_spec((d_in, d_in)),
            _full_spec((d_in, d_hid)),
            _full_spec((1, d_hid)),
            _full_spec((d_hid, d_out)),
            _full_spec((1, d_out)),
        ],
        out_specs=_row_spec((blk, d_out)),
        out_shape=jax.ShapeDtypeStruct((n, d_out), jnp.float32),
    )(parts, pre, W_rel, W1, b1.reshape(1, -1), W2, b2.reshape(1, -1))


@jax.jit
def kernel(x, edge_index, W_rel, b_rel, W_root, W1, b1, W2, b2):
    n, d = x.shape
    e = edge_index.shape[1]
    ei = edge_index if edge_index.dtype == jnp.int32 else edge_index.astype(jnp.int32)
    parts = _sc_aggregate(x, ei, n, e, d)
    pre = _tc_pre(x, W_root, b_rel, blk=2000)
    return _tc_post(parts, pre, W_rel, W1, b1, W2, b2, blk=2000)

# --- scband reference (transcript-rebuilt; emitter-appended) ---
"""Pipeline reference for scband-graph-conv-net-7052336300582 (READ-ONLY COPY).

The authoritative reference and input builder live on the scoring server;
editing this copy changes nothing except your own understanding.
"""

import jax, jax.numpy as jnp
import numpy as np

N_NODES = 10000
N_EDGES = 320000
D_IN = 128
D_HID = 256
D_OUT = 128


def setup_inputs(seed: int = 0) -> dict:
    key = jax.random.key(seed)
    ks = jax.random.split(key, 10)
    x = jax.random.normal(ks[0], (N_NODES, D_IN), dtype=jnp.float32)
    edge_index = jax.random.randint(ks[1], (2, N_EDGES), 0, N_NODES, dtype=jnp.int64)
    # GraphConv params: lin_rel (with bias) applied to aggregated neighbors, lin_root (no bias) applied to self
    W_rel = jax.random.normal(ks[2], (D_IN, D_IN), dtype=jnp.float32) * (1.0 / np.sqrt(D_IN))
    b_rel = jnp.zeros((D_IN,), dtype=jnp.float32)
    W_root = jax.random.normal(ks[3], (D_IN, D_IN), dtype=jnp.float32) * (1.0 / np.sqrt(D_IN))
    # MLP: Linear(D_IN, D_HID) -> ReLU -> Linear(D_HID, D_OUT)
    W1 = jax.random.normal(ks[4], (D_IN, D_HID), dtype=jnp.float32) * (1.0 / np.sqrt(D_IN))
    b1 = jnp.zeros((D_HID,), dtype=jnp.float32)
    W2 = jax.random.normal(ks[5], (D_HID, D_OUT), dtype=jnp.float32) * (1.0 / np.sqrt(D_HID))
    b2 = jnp.zeros((D_OUT,), dtype=jnp.float32)
    return {"x": x, "edge_index": edge_index, "W_rel": W_rel, "b_rel": b_rel,
            "W_root": W_root, "W1": W1, "b1": b1, "W2": W2, "b2": b2}


def reference(x, edge_index, W_rel, b_rel, W_root, W1, b1, W2, b2):
    # GraphConv with aggr='add': out[i] = lin_rel(sum_{j->i} x[j]) + lin_root(x[i])
    src = edge_index[0]
    dst = edge_index[1]
    msg = jnp.take(x, src, axis=0)                       # gather [E, D_IN]
    agg = jax.ops.segment_sum(msg, dst, num_segments=x.shape[0])  # scatter-add [N, D_IN]
    h = agg @ W_rel + b_rel + x @ W_root
    # MLP (2 layers) + sigmoid
    h = jax.nn.relu(h @ W1 + b1)
    h = h @ W2 + b2
    return jax.nn.sigmoid(h)

if __name__ == "__main__":
    import jax
    _d = setup_inputs()
    print(jax.jit(kernel)(*tuple(_d.values())))

</pallas_src>

<mosaic_0001>
#map = affine_map<(d0, d1) -> (0, 0)>
#map1 = affine_map<(d0, d1) -> (0, 0, 0, 0, 0)>
#map2 = affine_map<(d0, d1) -> (0, 0, 0)>
module attributes {stable_mosaic.version = 14 : i64} {
  func.func @agg_kernel(%arg0: i32, %arg1: i32, %arg2: memref<10000x128xf32, #tpu.memory_space<hbm>>, %arg3: memref<2x32x5x50x40xi32, #tpu.memory_space<hbm>>, %arg4: memref<2x10000x128xf32, #tpu.memory_space<hbm>>, %arg5: memref<50x40xi32, #tpu.memory_space<vmem>>, %arg6: memref<50x40xi32, #tpu.memory_space<vmem>>, %arg7: memref<40x128xf32, #tpu.memory_space<vmem>>, %arg8: memref<40x128xf32, #tpu.memory_space<vmem>>, %arg9: memref<40x128xf32, #tpu.memory_space<vmem>>, %arg10: memref<40x128xf32, #tpu.memory_space<vmem>>, %arg11: memref<40x128xf32, #tpu.memory_space<vmem>>, %arg12: memref<10000x128xf32, #tpu.memory_space<vmem_shared>>, %arg13: memref<16x128xf32, #tpu.memory_space<vmem>>, %arg14: memref<!tpu.dma_semaphore, #tpu.memory_space<semaphore_mem>>, %arg15: memref<!tpu.dma_semaphore, #tpu.memory_space<semaphore_mem>>, %arg16: memref<!tpu.dma_semaphore, #tpu.memory_space<semaphore_mem>>, %arg17: memref<!tpu.dma_semaphore, #tpu.memory_space<semaphore_mem>>, %arg18: memref<!tpu.dma_semaphore, #tpu.memory_space<semaphore_mem>>, %arg19: memref<!tpu.dma_semaphore, #tpu.memory_space<semaphore_mem>>, %arg20: memref<!tpu.dma_semaphore, #tpu.memory_space<semaphore_mem>>, %arg21: memref<!tpu.dma_semaphore, #tpu.memory_space<semaphore_mem>>, %arg22: memref<!tpu.dma_semaphore, #tpu.memory_space<semaphore_mem>>, %arg23: memref<!tpu.dma_semaphore, #tpu.memory_space<semaphore_mem>>, %arg24: memref<!tpu.dma_semaphore, #tpu.memory_space<semaphore_mem>>) attributes {dimension_semantics = [#tpu.dimension_semantics<core_parallel>, #tpu.dimension_semantics<subcore_parallel>], iteration_bounds = array<i64: 2, 16>, scalar_prefetch = 0 : i64, scratch_operands = 20 : i64, tpu.core_type = #tpu.core_type<sc_vector_subcore>, window_params = [{transform_indices = #map}, {transform_indices = #map1}, {transform_indices = #map2}]} {
    %mul3A = arith.constant 2 : i32
    %mul3A_0 = arith.muli %arg1, %mul3A : i32
    %add3A = arith.addi %mul3A_0, %arg0 : i32
    %broadcast_in_dim3A = arith.constant 0.000000e+00 : f32
    %broadcast_in_dim3A_1 = vector.broadcast %broadcast_in_dim3A : f32 to vector<16xf32>
    %scan3A = arith.constant 0 : i32
    %scan3A_2 = arith.constant 0 : i32
    %scan3A_3 = arith.constant 128 : i32
    %scan3A_4 = arith.addi %scan3A_2, %scan3A_3 : i32
    %scan3A_5 = arith.constant 1 : i32
    %scan3A_6 = scf.for %scan3A_649 = %scan3A_2 to %scan3A_4 step %scan3A_5 iter_args(%scan3A_650 = %scan3A) -> (i32)  : i32 {
      %jit3A = arith.constant 8 : i32
      %div3A = arith.divsi %scan3A_649, %jit3A : i32
      %sign3A = arith.constant 0 : i32
      %sign3A_651 = arith.cmpi sgt, %scan3A_649, %sign3A : i32
      %sign3A_652 = arith.extui %sign3A_651 : i1 to i32
      %sign3A_653 = arith.constant 0 : i32
      %sign3A_654 = arith.cmpi slt, %scan3A_649, %sign3A_653 : i32
      %sign3A_655 = arith.extui %sign3A_654 : i1 to i32
      %sign3A_656 = arith.subi %sign3A_652, %sign3A_655 : i32
      %sign3A_657 = arith.constant 0 : i32
      %sign3A_658 = arith.cmpi sgt, %jit3A, %sign3A_657 : i32
      %sign3A_659 = arith.extui %sign3A_658 : i1 to i32
      %sign3A_660 = arith.constant 0 : i32
      %sign3A_661 = arith.cmpi slt, %jit3A, %sign3A_660 : i32
      %sign3A_662 = arith.extui %sign3A_661 : i1 to i32
      %sign3A_663 = arith.subi %sign3A_659, %sign3A_662 : i32
      %ne3A = arith.cmpi ne, %sign3A_656, %sign3A_663 : i32
      %rem3A = arith.remsi %scan3A_649, %jit3A : i32
      %ne3A_664 = arith.constant 0 : i32
      %ne3A_665 = arith.cmpi ne, %rem3A, %ne3A_664 : i32
      %and3A = arith.andi %ne3A, %ne3A_665 : i1
      %sub3A = arith.constant 1 : i32
      %sub3A_666 = arith.subi %div3A, %sub3A : i32
      %select_n3A = arith.select %and3A, %sub3A_666, %div3A : i32
      %jit3A_667 = arith.constant 8 : i32
      %eq3A_668 = arith.constant 0 : i32
      %eq3A_669 = arith.cmpi eq, %jit3A_667, %eq3A_668 : i32
      %jit3A_670 = arith.constant 1 : i32
      %select_n3A_671 = arith.select %eq3A_669, %jit3A_670, %jit3A_667 : i32
      %rem3A_672 = arith.remsi %scan3A_649, %select_n3A_671 : i32
      %ne3A_673 = arith.constant 0 : i32
      %ne3A_674 = arith.cmpi ne, %rem3A_672, %ne3A_673 : i32
      %lt3A = arith.constant 0 : i32
      %lt3A_675 = arith.cmpi slt, %rem3A_672, %lt3A : i32
      %lt3A_676 = arith.constant 0 : i32
      %lt3A_677 = arith.cmpi slt, %select_n3A_671, %lt3A_676 : i32
      %ne3A_678 = arith.xori %lt3A_675, %lt3A_677 : i1
      %and3A_679 = arith.andi %ne3A_678, %ne3A_674 : i1
      %add3A_680 = arith.addi %rem3A_672, %select_n3A_671 : i32
      %select_n3A_681 = arith.select %and3A_679, %add3A_680, %rem3A_672 : i32
      %mul3A_682 = arith.constant 16 : i32
      %mul3A_683 = arith.muli %select_n3A_681, %mul3A_682 : i32
      %swap3A = arith.index_cast %select_n3A : i32 to index
      %swap3A_684 = arith.index_cast %mul3A_683 : i32 to index
      %swap3A_685 = tpu.vector_load %arg13[%swap3A, %swap3A_684] {strides = array<i32>} : memref<16x128xf32, #tpu.memory_space<vmem>>, vector<1x16xf32>,
      %swap3A_686 = vector.shape_cast %swap3A_685 : vector<1x16xf32> to vector<16xf32>
      %swap3A_687 = vector.shape_cast %broadcast_in_dim3A_1 : vector<16xf32> to vector<1x16xf32>
      tpu.vector_store %arg13[%swap3A, %swap3A_684], %swap3A_687 {strides = array<i32>} : memref<16x128xf32, #tpu.memory_space<vmem>>, vector<1x16xf32>,
      %scan3A_688 = arith.constant 0 : i32
      scf.yield %scan3A_688 : i32
    }
    %scan3A_7 = arith.constant 128 : i32
    %mul3A_8 = arith.constant 624 : i32
    %mul3A_9 = arith.muli %arg1, %mul3A_8 : i32
    %add3A_10 = arith.constant 0 : i32
    %add3A_11 = arith.addi %mul3A_9, %add3A_10 : i32
    %dma_start3A = arith.constant 0 : i32
    %dma_start3A_12 = tpu.memref_slice %arg12[%add3A_11, %dma_start3A] : memref<10000x128xf32, #tpu.memory_space<vmem_shared>> -> memref<16x128xf32, #tpu.memory_space<vmem_shared>>
    %dma_start3A_13 = arith.constant 0 : i32
    %dma_start3A_14 = tpu.memref_slice %arg12[%add3A_11, %dma_start3A_13] : memref<10000x128xf32, #tpu.memory_space<vmem_shared>> -> memref<16x128xf32, #tpu.memory_space<vmem_shared>>
    tpu.enqueue_dma source(%arg13 : memref<16x128xf32, #tpu.memory_space<vmem>>) target(%dma_start3A_14 : memref<16x128xf32, #tpu.memory_space<vmem_shared>>) target_semaphore(%arg24 : memref<!tpu.dma_semaphore, #tpu.memory_space<semaphore_mem>>)
    %mul3A_15 = arith.constant 624 : i32
    %mul3A_16 = arith.muli %arg1, %mul3A_15 : i32
    %add3A_17 = arith.constant 16 : i32
    %add3A_18 = arith.addi %mul3A_16, %add3A_17 : i32
    %dma_start3A_19 = arith.constant 0 : i32
    %dma_start3A_20 = tpu.memref_slice %arg12[%add3A_18, %dma_start3A_19] : memref<10000x128xf32, #tpu.memory_space<vmem_shared>> -> memref<16x128xf32, #tpu.memory_space<vmem_shared>>
    %dma_start3A_21 = arith.constant 0 : i32
    %dma_start3A_22 = tpu.memref_slice %arg12[%add3A_18, %dma_start3A_21] : memref<10000x128xf32, #tpu.memory_space<vmem_shared>> -> memref<16x128xf32, #tpu.memory_space<vmem_shared>>
    tpu.enqueue_dma source(%arg13 : memref<16x128xf32, #tpu.memory_space<vmem>>) target(%dma_start3A_22 : memref<16x128xf32, #tpu.memory_space<vmem_shared>>) target_semaphore(%arg24 : memref<!tpu.dma_semaphore, #tpu.memory_space<semaphore_mem>>)
    %mul3A_23 = arith.constant 624 : i32
    %mul3A_24 = arith.muli %arg1, %mul3A_23 : i32
    %add3A_25 = arith.constant 32 : i32
    %add3A_26 = arith.addi %mul3A_24, %add3A_25 : i32
    %dma_start3A_27 = arith.constant 0 : i32
    %dma_start3A_28 = tpu.memref_slice %arg12[%add3A_26, %dma_start3A_27] : memref<10000x128xf32, #tpu.memory_space<vmem_shared>> -> memref<16x128xf32, #tpu.memory_space<vmem_shared>>
    %dma_start3A_29 = arith.constant 0 : i32
    %dma_start3A_30 = tpu.memref_slice %arg12[%add3A_26, %dma_start3A_29] : memref<10000x128xf32, #tpu.memory_space<vmem_shared>> -> memref<16x128xf32, #tpu.memory_space<vmem_shared>>
    tpu.enqueue_dma source(%arg13 : memref<16x128xf32, #tpu.memory_space<vmem>>) target(%dma_start3A_30 : memref<16x128xf32, #tpu.memory_space<vmem_shared>>) target_semaphore(%arg24 : memref<!tpu.dma_semaphore, #tpu.memory_space<semaphore_mem>>)
    %mul3A_31 = arith.constant 624 : i32
    %mul3A_32 = arith.muli %arg1, %mul3A_31 : i32
    %add3A_33 = arith.constant 48 : i32
    %add3A_34 = arith.addi %mul3A_32, %add3A_33 : i32
    %dma_start3A_35 = arith.constant 0 : i32
    %dma_start3A_36 = tpu.memref_slice %arg12[%add3A_34, %dma_start3A_35] : memref<10000x128xf32, #tpu.memory_space<vmem_shared>> -> memref<16x128xf32, #tpu.memory_space<vmem_shared>>
    %dma_start3A_37 = arith.constant 0 : i32
    %dma_start3A_38 = tpu.memref_slice %arg12[%add3A_34, %dma_start3A_37] : memref<10000x128xf32, #tpu.memory_space<vmem_shared>> -> memref<16x128xf32, #tpu.memory_space<vmem_shared>>
    tpu.enqueue_dma source(%arg13 : memref<16x128xf32, #tpu.memory_space<vmem>>) target(%dma_start3A_38 : memref<16x128xf32, #tpu.memory_space<vmem_shared>>) target_semaphore(%arg24 : memref<!tpu.dma_semaphore, #tpu.memory_space<semaphore_mem>>)
    %mul3A_39 = arith.constant 624 : i32
    %mul3A_40 = arith.muli %arg1, %mul3A_39 : i32
    %add3A_41 = arith.constant 64 : i32
    %add3A_42 = arith.addi %mul3A_40, %add3A_41 : i32
    %dma_start3A_43 = arith.constant 0 : i32
    %dma_start3A_44 = tpu.memref_slice %arg12[%add3A_42, %dma_start3A_43] : memref<10000x128xf32, #tpu.memory_space<vmem_shared>> -> memref<16x128xf32, #tpu.memory_space<vmem_shared>>
    %dma_start3A_45 = arith.constant 0 : i32
    %dma_start3A_46 = tpu.memref_slice %arg12[%add3A_42, %dma_start3A_45] : memref<10000x128xf32, #tpu.memory_space<vmem_shared>> -> memref<16x128xf32, #tpu.memory_space<vmem_shared>>
    tpu.enqueue_dma source(%arg13 : memref<16x128xf32, #tpu.memory_space<vmem>>) target(%dma_start3A_46 : memref<16x128xf32, #tpu.memory_space<vmem_shared>>) target_semaphore(%arg24 : memref<!tpu.dma_semaphore, #tpu.memory_space<semaphore_mem>>)
    %mul3A_47 = arith.constant 624 : i32
    %mul3A_48 = arith.muli %arg1, %mul3A_47 : i32
    %add3A_49 = arith.constant 80 : i32
    %add3A_50 = arith.addi %mul3A_48, %add3A_49 : i32
    %dma_start3A_51 = arith.constant 0 : i32
    %dma_start3A_52 = tpu.memref_slice %arg12[%add3A_50, %dma_start3A_51] : memref<10000x128xf32, #tpu.memory_space<vmem_shared>> -> memref<16x128xf32, #tpu.memory_space<vmem_shared>>
    %dma_start3A_53 = arith.constant 0 : i32
    %dma_start3A_54 = tpu.memref_slice %arg12[%add3A_50, %dma_start3A_53] : memref<10000x128xf32, #tpu.memory_space<vmem_shared>> -> memref<16x128xf32, #tpu.memory_space<vmem_shared>>
    tpu.enqueue_dma source(%arg13 : memref<16x128xf32, #tpu.memory_space<vmem>>) target(%dma_start3A_54 : memref<16x128xf32, #tpu.memory_space<vmem_shared>>) target_semaphore(%arg24 : memref<!tpu.dma_semaphore, #tpu.memory_space<semaphore_mem>>)
    %mul3A_55 = arith.constant 624 : i32
    %mul3A_56 = arith.muli %arg1, %mul3A_55 : i32
    %add3A_57 = arith.constant 96 : i32
    %add3A_58 = arith.addi %mul3A_56, %add3A_57 : i32
    %dma_start3A_59 = arith.constant 0 : i32
    %dma_start3A_60 = tpu.memref_slice %arg12[%add3A_58, %dma_start3A_59] : memref<10000x128xf32, #tpu.memory_space<vmem_shared>> -> memref<16x128xf32, #tpu.memory_space<vmem_shared>>
    %dma_start3A_61 = arith.constant 0 : i32
    %dma_start3A_62 = tpu.memref_slice %arg12[%add3A_58, %dma_start3A_61] : memref<10000x128xf32, #tpu.memory_space<vmem_shared>> -> memref<16x128xf32, #tpu.memory_space<vmem_shared>>
    tpu.enqueue_dma source(%arg13 : memref<16x128xf32, #tpu.memory_space<vmem>>) target(%dma_start3A_62 : memref<16x128xf32, #tpu.memory_space<vmem_shared>>) target_semaphore(%arg24 : memref<!tpu.dma_semaphore, #tpu.memory_space<semaphore_mem>>)
    %mul3A_63 = arith.constant 624 : i32
    %mul3A_64 = arith.muli %arg1, %mul3A_63 : i32
    %add3A_65 = arith.constant 112 : i32
    %add3A_66 = arith.addi %mul3A_64, %add3A_65 : i32
    %dma_start3A_67 = arith.constant 0 : i32
    %dma_start3A_68 = tpu.memref_slice %arg12[%add3A_66, %dma_start3A_67] : memref<10000x128xf32, #tpu.memory_space<vmem_shared>> -> memref<16x128xf32, #tpu.memory_space<vmem_shared>>
    %dma_start3A_69 = arith.constant 0 : i32
    %dma_start3A_70 = tpu.memref_slice %arg12[%add3A_66, %dma_start3A_69] : memref<10000x128xf32, #tpu.memory_space<vmem_shared>> -> memref<16x128xf32, #tpu.memory_space<vmem_shared>>
    tpu.enqueue_dma source(%arg13 : memref<16x128xf32, #tpu.memory_space<vmem>>) target(%dma_start3A_70 : memref<16x128xf32, #tpu.memory_space<vmem_shared>>) target_semaphore(%arg24 : memref<!tpu.dma_semaphore, #tpu.memory_space<semaphore_mem>>)
    %mul3A_71 = arith.constant 624 : i32
    %mul3A_72 = arith.muli %arg1, %mul3A_71 : i32
    %add3A_73 = arith.constant 128 : i32
    %add3A_74 = arith.addi %mul3A_72, %add3A_73 : i32
    %dma_start3A_75 = arith.constant 0 : i32
    %dma_start3A_76 = tpu.memref_slice %arg12[%add3A_74, %dma_start3A_75] : memref<10000x128xf32, #tpu.memory_space<vmem_shared>> -> memref<16x128xf32, #tpu.memory_space<vmem_shared>>
    %dma_start3A_77 = arith.constant 0 : i32
    %dma_start3A_78 = tpu.memref_slice %arg12[%add3A_74, %dma_start3A_77] : memref<10000x128xf32, #tpu.memory_space<vmem_shared>> -> memref<16x128xf32, #tpu.memory_space<vmem_shared>>
    tpu.enqueue_dma source(%arg13 : memref<16x128xf32, #tpu.memory_space<vmem>>) target(%dma_start3A_78 : memref<16x128xf32, #tpu.memory_space<vmem_shared>>) target_semaphore(%arg24 : memref<!tpu.dma_semaphore, #tpu.memory_space<semaphore_mem>>)
    %mul3A_79 = arith.constant 624 : i32
    %mul3A_80 = arith.muli %arg1, %mul3A_79 : i32
    %add3A_81 = arith.constant 144 : i32
    %add3A_82 = arith.addi %mul3A_80, %add3A_81 : i32
    %dma_start3A_83 = arith.constant 0 : i32
    %dma_start3A_84 = tpu.memref_slice %arg12[%add3A_82, %dma_start3A_83] : memref<10000x128xf32, #tpu.memory_space<vmem_shared>> -> memref<16x128xf32, #tpu.memory_space<vmem_shared>>
    %dma_start3A_85 = arith.constant 0 : i32
    %dma_start3A_86 = tpu.memref_slice %arg12[%add3A_82, %dma_start3A_85] : memref<10000x128xf32, #tpu.memory_space<vmem_shared>> -> memref<16x128xf32, #tpu.memory_space<vmem_shared>>
    tpu.enqueue_dma source(%arg13 : memref<16x128xf32, #tpu.memory_space<vmem>>) target(%dma_start3A_86 : memref<16x128xf32, #tpu.memory_space<vmem_shared>>) target_semaphore(%arg24 : memref<!tpu.dma_semaphore, #tpu.memory_space<semaphore_mem>>)
    %mul3A_87 = arith.constant 624 : i32
    %mul3A_88 = arith.muli %arg1, %mul3A_87 : i32
    %add3A_89 = arith.constant 160 : i32
    %add3A_90 = arith.addi %mul3A_88, %add3A_89 : i32
    %dma_start3A_91 = arith.constant 0 : i32
    %dma_start3A_92 = tpu.memref_slice %arg12[%add3A_90, %dma_start3A_91] : memref<10000x128xf32, #tpu.memory_space<vmem_shared>> -> memref<16x128xf32, #tpu.memory_space<vmem_shared>>
    %dma_start3A_93 = arith.constant 0 : i32
    %dma_start3A_94 = tpu.memref_slice %arg12[%add3A_90, %dma_start3A_93] : memref<10000x128xf32, #tpu.memory_space<vmem_shared>> -> memref<16x128xf32, #tpu.memory_space<vmem_shared>>
    tpu.enqueue_dma source(%arg13 : memref<16x128xf32, #tpu.memory_space<vmem>>) target(%dma_start3A_94 : memref<16x128xf32, #tpu.memory_space<vmem_shared>>) target_semaphore(%arg24 : memref<!tpu.dma_semaphore, #tpu.memory_space<semaphore_mem>>)
    %mul3A_95 = arith.constant 624 : i32
    %mul3A_96 = arith.muli %arg1, %mul3A_95 : i32
    %add3A_97 = arith.constant 176 : i32
    %add3A_98 = arith.addi %mul3A_96, %add3A_97 : i32
    %dma_start3A_99 = arith.constant 0 : i32
    %dma_start3A_100 = tpu.memref_slice %arg12[%add3A_98, %dma_start3A_99] : memref<10000x128xf32, #tpu.memory_space<vmem_shared>> -> memref<16x128xf32, #tpu.memory_space<vmem_shared>>
    %dma_start3A_101 = arith.constant 0 : i32
    %dma_start3A_102 = tpu.memref_slice %arg12[%add3A_98, %dma_start3A_101] : memref<10000x128xf32, #tpu.memory_space<vmem_shared>> -> memref<16x128xf32, #tpu.memory_space<vmem_shared>>
    tpu.enqueue_dma source(%arg13 : memref<16x128xf32, #tpu.memory_space<vmem>>) target(%dma_start3A_102 : memref<16x128xf32, #tpu.memory_space<vmem_shared>>) target_semaphore(%arg24 : memref<!tpu.dma_semaphore, #tpu.memory_space<semaphore_mem>>)
    %mul3A_103 = arith.constant 624 : i32
    %mul3A_104 = arith.muli %arg1, %mul3A_103 : i32
    %add3A_105 = arith.constant 192 : i32
    %add3A_106 = arith.addi %mul3A_104, %add3A_105 : i32
    %dma_start3A_107 = arith.constant 0 : i32
    %dma_start3A_108 = tpu.memref_slice %arg12[%add3A_106, %dma_start3A_107] : memref<10000x128xf32, #tpu.memory_space<vmem_shared>> -> memref<16x128xf32, #tpu.memory_space<vmem_shared>>
    %dma_start3A_109 = arith.constant 0 : i32
    %dma_start3A_110 = tpu.memref_slice %arg12[%add3A_106, %dma_start3A_109] : memref<10000x128xf32, #tpu.memory_space<vmem_shared>> -> memref<16x128xf32, #tpu.memory_space<vmem_shared>>
    tpu.enqueue_dma source(%arg13 : memref<16x128xf32, #tpu.memory_space<vmem>>) target(%dma_start3A_110 : memref<16x128xf32, #tpu.memory_space<vmem_shared>>) target_semaphore(%arg24 : memref<!tpu.dma_semaphore, #tpu.memory_space<semaphore_mem>>)
    %mul3A_111 = arith.constant 624 : i32
    %mul3A_112 = arith.muli %arg1, %mul3A_111 : i32
    %add3A_113 = arith.constant 208 : i32
    %add3A_114 = arith.addi %mul3A_112, %add3A_113 : i32
    %dma_start3A_115 = arith.constant 0 : i32
    %dma_start3A_116 = tpu.memref_slice %arg12[%add3A_114, %dma_start3A_115] : memref<10000x128xf32, #tpu.memory_space<vmem_shared>> -> memref<16x128xf32, #tpu.memory_space<vmem_shared>>
    %dma_start3A_117 = arith.constant 0 : i32
    %dma_start3A_118 = tpu.memref_slice %arg12[%add3A_114, %dma_start3A_117] : memref<10000x128xf32, #tpu.memory_space<vmem_shared>> -> memref<16x128xf32, #tpu.memory_space<vmem_shared>>
    tpu.enqueue_dma source(%arg13 : memref<16x128xf32, #tpu.memory_space<vmem>>) target(%dma_start3A_118 : memref<16x128xf32, #tpu.memory_space<vmem_shared>>) target_semaphore(%arg24 : memref<!tpu.dma_semaphore, #tpu.memory_space<semaphore_mem>>)
    %mul3A_119 = arith.constant 624 : i32
    %mul3A_120 = arith.muli %arg1, %mul3A_119 : i32
    %add3A_121 = arith.constant 224 : i32
    %add3A_122 = arith.addi %mul3A_120, %add3A_121 : i32
    %dma_start3A_123 = arith.constant 0 : i32
    %dma_start3A_124 = tpu.memref_slice %arg12[%add3A_122, %dma_start3A_123] : memref<10000x128xf32, #tpu.memory_space<vmem_shared>> -> memref<16x128xf32, #tpu.memory_space<vmem_shared>>
    %dma_start3A_125 = arith.constant 0 : i32
    %dma_start3A_126 = tpu.memref_slice %arg12[%add3A_122, %dma_start3A_125] : memref<10000x128xf32, #tpu.memory_space<vmem_shared>> -> memref<16x128xf32, #tpu.memory_space<vmem_shared>>
    tpu.enqueue_dma source(%arg13 : memref<16x128xf32, #tpu.memory_space<vmem>>) target(%dma_start3A_126 : memref<16x128xf32, #tpu.memory_space<vmem_shared>>) target_semaphore(%arg24 : memref<!tpu.dma_semaphore, #tpu.memory_space<semaphore_mem>>)
    %mul3A_127 = arith.constant 624 : i32
    %mul3A_128 = arith.muli %arg1, %mul3A_127 : i32
    %add3A_129 = arith.constant 240 : i32
    %add3A_130 = arith.addi %mul3A_128, %add3A_129 : i32
    %dma_start3A_131 = arith.constant 0 : i32
    %dma_start3A_132 = tpu.memref_slice %arg12[%add3A_130, %dma_start3A_131] : memref<10000x128xf32, #tpu.memory_space<vmem_shared>> -> memref<16x128xf32, #tpu.memory_space<vmem_shared>>
    %dma_start3A_133 = arith.constant 0 : i32
    %dma_start3A_134 = tpu.memref_slice %arg12[%add3A_130, %dma_start3A_133] : memref<10000x128xf32, #tpu.memory_space<vmem_shared>> -> memref<16x128xf32, #tpu.memory_space<vmem_shared>>
    tpu.enqueue_dma source(%arg13 : memref<16x128xf32, #tpu.memory_space<vmem>>) target(%dma_start3A_134 : memref<16x128xf32, #tpu.memory_space<vmem_shared>>) target_semaphore(%arg24 : memref<!tpu.dma_semaphore, #tpu.memory_space<semaphore_mem>>)
    %mul3A_135 = arith.constant 624 : i32
    %mul3A_136 = arith.muli %arg1, %mul3A_135 : i32
    %add3A_137 = arith.constant 256 : i32
    %add3A_138 = arith.addi %mul3A_136, %add3A_137 : i32
    %dma_start3A_139 = arith.constant 0 : i32
    %dma_start3A_140 = tpu.memref_slice %arg12[%add3A_138, %dma_start3A_139] : memref<10000x128xf32, #tpu.memory_space<vmem_shared>> -> memref<16x128xf32, #tpu.memory_space<vmem_shared>>
    %dma_start3A_141 = arith.constant 0 : i32
    %dma_start3A_142 = tpu.memref_slice %arg12[%add3A_138, %dma_start3A_141] : memref<10000x128xf32, #tpu.memory_space<vmem_shared>> -> memref<16x128xf32, #tpu.memory_space<vmem_shared>>
    tpu.enqueue_dma source(%arg13 : memref<16x128xf32, #tpu.memory_space<vmem>>) target(%dma_start3A_142 : memref<16x128xf32, #tpu.memory_space<vmem_shared>>) target_semaphore(%arg24 : memref<!tpu.dma_semaphore, #tpu.memory_space<semaphore_mem>>)
    %mul3A_143 = arith.constant 624 : i32
    %mul3A_144 = arith.muli %arg1, %mul3A_143 : i32
    %add3A_145 = arith.constant 272 : i32
    %add3A_146 = arith.addi %mul3A_144, %add3A_145 : i32
    %dma_start3A_147 = arith.constant 0 : i32
    %dma_start3A_148 = tpu.memref_slice %arg12[%add3A_146, %dma_start3A_147] : memref<10000x128xf32, #tpu.memory_space<vmem_shared>> -> memref<16x128xf32, #tpu.memory_space<vmem_shared>>
    %dma_start3A_149 = arith.constant 0 : i32
    %dma_start3A_150 = tpu.memref_slice %arg12[%add3A_146, %dma_start3A_149] : memref<10000x128xf32, #tpu.memory_space<vmem_shared>> -> memref<16x128xf32, #tpu.memory_space<vmem_shared>>
    tpu.enqueue_dma source(%arg13 : memref<16x128xf32, #tpu.memory_space<vmem>>) target(%dma_start3A_150 : memref<16x128xf32, #tpu.memory_space<vmem_shared>>) target_semaphore(%arg24 : memref<!tpu.dma_semaphore, #tpu.memory_space<semaphore_mem>>)
    %mul3A_151 = arith.constant 624 : i32
    %mul3A_152 = arith.muli %arg1, %mul3A_151 : i32
    %add3A_153 = arith.constant 288 : i32
    %add3A_154 = arith.addi %mul3A_152, %add3A_153 : i32
    %dma_start3A_155 = arith.constant 0 : i32
    %dma_start3A_156 = tpu.memref_slice %arg12[%add3A_154, %dma_start3A_155] : memref<10000x128xf32, #tpu.memory_space<vmem_shared>> -> memref<16x128xf32, #tpu.memory_space<vmem_shared>>
    %dma_start3A_157 = arith.constant 0 : i32
    %dma_start3A_158 = tpu.memref_slice %arg12[%add3A_154, %dma_start3A_157] : memref<10000x128xf32, #tpu.memory_space<vmem_shared>> -> memref<16x128xf32, #tpu.memory_space<vmem_shared>>
    tpu.enqueue_dma source(%arg13 : memref<16x128xf32, #tpu.memory_space<vmem>>) target(%dma_start3A_158 : memref<16x128xf32, #tpu.memory_space<vmem_shared>>) target_semaphore(%arg24 : memref<!tpu.dma_semaphore, #tpu.memory_space<semaphore_mem>>)
    %mul3A_159 = arith.constant 624 : i32
    %mul3A_160 = arith.muli %arg1, %mul3A_159 : i32
    %add3A_161 = arith.constant 304 : i32
    %add3A_162 = arith.addi %mul3A_160, %add3A_161 : i32
    %dma_start3A_163 = arith.constant 0 : i32
    %dma_start3A_164 = tpu.memref_slice %arg12[%add3A_162, %dma_start3A_163] : memref<10000x128xf32, #tpu.memory_space<vmem_shared>> -> memref<16x128xf32, #tpu.memory_space<vmem_shared>>
    %dma_start3A_165 = arith.constant 0 : i32
    %dma_start3A_166 = tpu.memref_slice %arg12[%add3A_162, %dma_start3A_165] : memref<10000x128xf32, #tpu.memory_space<vmem_shared>> -> memref<16x128xf32, #tpu.memory_space<vmem_shared>>
    tpu.enqueue_dma source(%arg13 : memref<16x128xf32, #tpu.memory_space<vmem>>) target(%dma_start3A_166 : memref<16x128xf32, #tpu.memory_space<vmem_shared>>) target_semaphore(%arg24 : memref<!tpu.dma_semaphore, #tpu.memory_space<semaphore_mem>>)
    %mul3A_167 = arith.constant 624 : i32
    %mul3A_168 = arith.muli %arg1, %mul3A_167 : i32
    %add3A_169 = arith.constant 320 : i32
    %add3A_170 = arith.addi %mul3A_168, %add3A_169 : i32
    %dma_start3A_171 = arith.constant 0 : i32
    %dma_start3A_172 = tpu.memref_slice %arg12[%add3A_170, %dma_start3A_171] : memref<10000x128xf32, #tpu.memory_space<vmem_shared>> -> memref<16x128xf32, #tpu.memory_space<vmem_shared>>
    %dma_start3A_173 = arith.constant 0 : i32
    %dma_start3A_174 = tpu.memref_slice %arg12[%add3A_170, %dma_start3A_173] : memref<10000x128xf32, #tpu.memory_space<vmem_shared>> -> memref<16x128xf32, #tpu.memory_space<vmem_shared>>
    tpu.enqueue_dma source(%arg13 : memref<16x128xf32, #tpu.memory_space<vmem>>) target(%dma_start3A_174 : memref<16x128xf32, #tpu.memory_space<vmem_shared>>) target_semaphore(%arg24 : memref<!tpu.dma_semaphore, #tpu.memory_space<semaphore_mem>>)
    %mul3A_175 = arith.constant 624 : i32
    %mul3A_176 = arith.muli %arg1, %mul3A_175 : i32
    %add3A_177 = arith.constant 336 : i32
    %add3A_178 = arith.addi %mul3A_176, %add3A_177 : i32
    %dma_start3A_179 = arith.constant 0 : i32
    %dma_start3A_180 = tpu.memref_slice %arg12[%add3A_178, %dma_start3A_179] : memref<10000x128xf32, #tpu.memory_space<vmem_shared>> -> memref<16x128xf32, #tpu.memory_space<vmem_shared>>
    %dma_start3A_181 = arith.constant 0 : i32
    %dma_start3A_182 = tpu.memref_slice %arg12[%add3A_178, %dma_start3A_181] : memref<10000x128xf32, #tpu.memory_space<vmem_shared>> -> memref<16x128xf32, #tpu.memory_space<vmem_shared>>
    tpu.enqueue_dma source(%arg13 : memref<16x128xf32, #tpu.memory_space<vmem>>) target(%dma_start3A_182 : memref<16x128xf32, #tpu.memory_space<vmem_shared>>) target_semaphore(%arg24 : memref<!tpu.dma_semaphore, #tpu.memory_space<semaphore_mem>>)
    %mul3A_183 = arith.constant 624 : i32
    %mul3A_184 = arith.muli %arg1, %mul3A_183 : i32
    %add3A_185 = arith.constant 352 : i32
    %add3A_186 = arith.addi %mul3A_184, %add3A_185 : i32
    %dma_start3A_187 = arith.constant 0 : i32
    %dma_start3A_188 = tpu.memref_slice %arg12[%add3A_186, %dma_start3A_187] : memref<10000x128xf32, #tpu.memory_space<vmem_shared>> -> memref<16x128xf32, #tpu.memory_space<vmem_shared>>
    %dma_start3A_189 = arith.constant 0 : i32
    %dma_start3A_190 = tpu.memref_slice %arg12[%add3A_186, %dma_start3A_189] : memref<10000x128xf32, #tpu.memory_space<vmem_shared>> -> memref<16x128xf32, #tpu.memory_space<vmem_shared>>
    tpu.enqueue_dma source(%arg13 : memref<16x128xf32, #tpu.memory_space<vmem>>) target(%dma_start3A_190 : memref<16x128xf32, #tpu.memory_space<vmem_shared>>) target_semaphore(%arg24 : memref<!tpu.dma_semaphore, #tpu.memory_space<semaphore_mem>>)
    %mul3A_191 = arith.constant 624 : i32
    %mul3A_192 = arith.muli %arg1, %mul3A_191 : i32
    %add3A_193 = arith.constant 368 : i32
    %add3A_194 = arith.addi %mul3A_192, %add3A_193 : i32
    %dma_start3A_195 = arith.constant 0 : i32
    %dma_start3A_196 = tpu.memref_slice %arg12[%add3A_194, %dma_start3A_195] : memref<10000x128xf32, #tpu.memory_space<vmem_shared>> -> memref<16x128xf32, #tpu.memory_space<vmem_shared>>
    %dma_start3A_197 = arith.constant 0 : i32
    %dma_start3A_198 = tpu.memref_slice %arg12[%add3A_194, %dma_start3A_197] : memref<10000x128xf32, #tpu.memory_space<vmem_shared>> -> memref<16x128xf32, #tpu.memory_space<vmem_shared>>
    tpu.enqueue_dma source(%arg13 : memref<16x128xf32, #tpu.memory_space<vmem>>) target(%dma_start3A_198 : memref<16x128xf32, #tpu.memory_space<vmem_shared>>) target_semaphore(%arg24 : memref<!tpu.dma_semaphore, #tpu.memory_space<semaphore_mem>>)
    %mul3A_199 = arith.constant 624 : i32
    %mul3A_200 = arith.muli %arg1, %mul3A_199 : i32
    %add3A_201 = arith.constant 384 : i32
    %add3A_202 = arith.addi %mul3A_200, %add3A_201 : i32
    %dma_start3A_203 = arith.constant 0 : i32
    %dma_start3A_204 = tpu.memref_slice %arg12[%add3A_202, %dma_start3A_203] : memref<10000x128xf32, #tpu.memory_space<vmem_shared>> -> memref<16x128xf32, #tpu.memory_space<vmem_shared>>
    %dma_start3A_205 = arith.constant 0 : i32
    %dma_start3A_206 = tpu.memref_slice %arg12[%add3A_202, %dma_start3A_205] : memref<10000x128xf32, #tpu.memory_space<vmem_shared>> -> memref<16x128xf32, #tpu.memory_space<vmem_shared>>
    tpu.enqueue_dma source(%arg13 : memref<16x128xf32, #tpu.memory_space<vmem>>) target(%dma_start3A_206 : memref<16x128xf32, #tpu.memory_space<vmem_shared>>) target_semaphore(%arg24 : memref<!tpu.dma_semaphore, #tpu.memory_space<semaphore_mem>>)
    %mul3A_207 = arith.constant 624 : i32
    %mul3A_208 = arith.muli %arg1, %mul3A_207 : i32
    %add3A_209 = arith.constant 400 : i32
    %add3A_210 = arith.addi %mul3A_208, %add3A_209 : i32
    %dma_start3A_211 = arith.constant 0 : i32
    %dma_start3A_212 = tpu.memref_slice %arg12[%add3A_210, %dma_start3A_211] : memref<10000x128xf32, #tpu.memory_space<vmem_shared>> -> memref<16x128xf32, #tpu.memory_space<vmem_shared>>
    %dma_start3A_213 = arith.constant 0 : i32
    %dma_start3A_214 = tpu.memref_slice %arg12[%add3A_210, %dma_start3A_213] : memref<10000x128xf32, #tpu.memory_space<vmem_shared>> -> memref<16x128xf32, #tpu.memory_space<vmem_shared>>
    tpu.enqueue_dma source(%arg13 : memref<16x128xf32, #tpu.memory_space<vmem>>) target(%dma_start3A_214 : memref<16x128xf32, #tpu.memory_space<vmem_shared>>) target_semaphore(%arg24 : memref<!tpu.dma_semaphore, #tpu.memory_space<semaphore_mem>>)
    %mul3A_215 = arith.constant 624 : i32
    %mul3A_216 = arith.muli %arg1, %mul3A_215 : i32
    %add3A_217 = arith.constant 416 : i32
    %add3A_218 = arith.addi %mul3A_216, %add3A_217 : i32
    %dma_start3A_219 = arith.constant 0 : i32
    %dma_start3A_220 = tpu.memref_slice %arg12[%add3A_218, %dma_start3A_219] : memref<10000x128xf32, #tpu.memory_space<vmem_shared>> -> memref<16x128xf32, #tpu.memory_space<vmem_shared>>
    %dma_start3A_221 = arith.constant 0 : i32
    %dma_start3A_222 = tpu.memref_slice %arg12[%add3A_218, %dma_start3A_221] : memref<10000x128xf32, #tpu.memory_space<vmem_shared>> -> memref<16x128xf32, #tpu.memory_space<vmem_shared>>
    tpu.enqueue_dma source(%arg13 : memref<16x128xf32, #tpu.memory_space<vmem>>) target(%dma_start3A_222 : memref<16x128xf32, #tpu.memory_space<vmem_shared>>) target_semaphore(%arg24 : memref<!tpu.dma_semaphore, #tpu.memory_space<semaphore_mem>>)
    %mul3A_223 = arith.constant 624 : i32
    %mul3A_224 = arith.muli %arg1, %mul3A_223 : i32
    %add3A_225 = arith.constant 432 : i32
    %add3A_226 = arith.addi %mul3A_224, %add3A_225 : i32
    %dma_start3A_227 = arith.constant 0 : i32
    %dma_start3A_228 = tpu.memref_slice %arg12[%add3A_226, %dma_start3A_227] : memref<10000x128xf32, #tpu.memory_space<vmem_shared>> -> memref<16x128xf32, #tpu.memory_space<vmem_shared>>
    %dma_start3A_229 = arith.constant 0 : i32
    %dma_start3A_230 = tpu.memref_slice %arg12[%add3A_226, %dma_start3A_229] : memref<10000x128xf32, #tpu.memory_space<vmem_shared>> -> memref<16x128xf32, #tpu.memory_space<vmem_shared>>
    tpu.enqueue_dma source(%arg13 : memref<16x128xf32, #tpu.memory_space<vmem>>) target(%dma_start3A_230 : memref<16x128xf32, #tpu.memory_space<vmem_shared>>) target_semaphore(%arg24 : memref<!tpu.dma_semaphore, #tpu.memory_space<semaphore_mem>>)
    %mul3A_231 = arith.constant 624 : i32
    %mul3A_232 = arith.muli %arg1, %mul3A_231 : i32
    %add3A_233 = arith.constant 448 : i32
    %add3A_234 = arith.addi %mul3A_232, %add3A_233 : i32
    %dma_start3A_235 = arith.constant 0 : i32
    %dma_start3A_236 = tpu.memref_slice %arg12[%add3A_234, %dma_start3A_235] : memref<10000x128xf32, #tpu.memory_space<vmem_shared>> -> memref<16x128xf32, #tpu.memory_space<vmem_shared>>
    %dma_start3A_237 = arith.constant 0 : i32
    %dma_start3A_238 = tpu.memref_slice %arg12[%add3A_234, %dma_start3A_237] : memref<10000x128xf32, #tpu.memory_space<vmem_shared>> -> memref<16x128xf32, #tpu.memory_space<vmem_shared>>
    tpu.enqueue_dma source(%arg13 : memref<16x128xf32, #tpu.memory_space<vmem>>) target(%dma_start3A_238 : memref<16x128xf32, #tpu.memory_space<vmem_shared>>) target_semaphore(%arg24 : memref<!tpu.dma_semaphore, #tpu.memory_space<semaphore_mem>>)
    %mul3A_239 = arith.constant 624 : i32
    %mul3A_240 = arith.muli %arg1, %mul3A_239 : i32
    %add3A_241 = arith.constant 464 : i32
    %add3A_242 = arith.addi %mul3A_240, %add3A_241 : i32
    %dma_start3A_243 = arith.constant 0 : i32
    %dma_start3A_244 = tpu.memref_slice %arg12[%add3A_242, %dma_start3A_243] : memref<10000x128xf32, #tpu.memory_space<vmem_shared>> -> memref<16x128xf32, #tpu.memory_space<vmem_shared>>
    %dma_start3A_245 = arith.constant 0 : i32
    %dma_start3A_246 = tpu.memref_slice %arg12[%add3A_242, %dma_start3A_245] : memref<10000x128xf32, #tpu.memory_space<vmem_shared>> -> memref<16x128xf32, #tpu.memory_space<vmem_shared>>
    tpu.enqueue_dma source(%arg13 : memref<16x128xf32, #tpu.memory_space<vmem>>) target(%dma_start3A_246 : memref<16x128xf32, #tpu.memory_space<vmem_shared>>) target_semaphore(%arg24 : memref<!tpu.dma_semaphore, #tpu.memory_space<semaphore_mem>>)
    %mul3A_247 = arith.constant 624 : i32
    %mul3A_248 = arith.muli %arg1, %mul3A_247 : i32
    %add3A_249 = arith.constant 480 : i32
    %add3A_250 = arith.addi %mul3A_248, %add3A_249 : i32
    %dma_start3A_251 = arith.constant 0 : i32
    %dma_start3A_252 = tpu.memref_slice %arg12[%add3A_250, %dma_start3A_251] : memref<10000x128xf32, #tpu.memory_space<vmem_shared>> -> memref<16x128xf32, #tpu.memory_space<vmem_shared>>
    %dma_start3A_253 = arith.constant 0 : i32
    %dma_start3A_254 = tpu.memref_slice %arg12[%add3A_250, %dma_start3A_253] : memref<10000x128xf32, #tpu.memory_space<vmem_shared>> -> memref<16x128xf32, #tpu.memory_space<vmem_shared>>
    tpu.enqueue_dma source(%arg13 : memref<16x128xf32, #tpu.memory_space<vmem>>) target(%dma_start3A_254 : memref<16x128xf32, #tpu.memory_space<vmem_shared>>) target_semaphore(%arg24 : memref<!tpu.dma_semaphore, #tpu.memory_space<semaphore_mem>>)
    %mul3A_255 = arith.constant 624 : i32
    %mul3A_256 = arith.muli %arg1, %mul3A_255 : i32
    %add3A_257 = arith.constant 496 : i32
    %add3A_258 = arith.addi %mul3A_256, %add3A_257 : i32
    %dma_start3A_259 = arith.constant 0 : i32
    %dma_start3A_260 = tpu.memref_slice %arg12[%add3A_258, %dma_start3A_259] : memref<10000x128xf32, #tpu.memory_space<vmem_shared>> -> memref<16x128xf32, #tpu.memory_space<vmem_shared>>
    %dma_start3A_261 = arith.constant 0 : i32
    %dma_start3A_262 = tpu.memref_slice %arg12[%add3A_258, %dma_start3A_261] : memref<10000x128xf32, #tpu.memory_space<vmem_shared>> -> memref<16x128xf32, #tpu.memory_space<vmem_shared>>
    tpu.enqueue_dma source(%arg13 : memref<16x128xf32, #tpu.memory_space<vmem>>) target(%dma_start3A_262 : memref<16x128xf32, #tpu.memory_space<vmem_shared>>) target_semaphore(%arg24 : memref<!tpu.dma_semaphore, #tpu.memory_space<semaphore_mem>>)
    %mul3A_263 = arith.constant 624 : i32
    %mul3A_264 = arith.muli %arg1, %mul3A_263 : i32
    %add3A_265 = arith.constant 512 : i32
    %add3A_266 = arith.addi %mul3A_264, %add3A_265 : i32
    %dma_start3A_267 = arith.constant 0 : i32
    %dma_start3A_268 = tpu.memref_slice %arg12[%add3A_266, %dma_start3A_267] : memref<10000x128xf32, #tpu.memory_space<vmem_shared>> -> memref<16x128xf32, #tpu.memory_space<vmem_shared>>
    %dma_start3A_269 = arith.constant 0 : i32
    %dma_start3A_270 = tpu.memref_slice %arg12[%add3A_266, %dma_start3A_269] : memref<10000x128xf32, #tpu.memory_space<vmem_shared>> -> memref<16x128xf32, #tpu.memory_space<vmem_shared>>
    tpu.enqueue_dma source(%arg13 : memref<16x128xf32, #tpu.memory_space<vmem>>) target(%dma_start3A_270 : memref<16x128xf32, #tpu.memory_space<vmem_shared>>) target_semaphore(%arg24 : memref<!tpu.dma_semaphore, #tpu.memory_space<semaphore_mem>>)
    %mul3A_271 = arith.constant 624 : i32
    %mul3A_272 = arith.muli %arg1, %mul3A_271 : i32
    %add3A_273 = arith.constant 528 : i32
    %add3A_274 = arith.addi %mul3A_272, %add3A_273 : i32
    %dma_start3A_275 = arith.constant 0 : i32
    %dma_start3A_276 = tpu.memref_slice %arg12[%add3A_274, %dma_start3A_275] : memref<10000x128xf32, #tpu.memory_space<vmem_shared>> -> memref<16x128xf32, #tpu.memory_space<vmem_shared>>
    %dma_start3A_277 = arith.constant 0 : i32
    %dma_start3A_278 = tpu.memref_slice %arg12[%add3A_274, %dma_start3A_277] : memref<10000x128xf32, #tpu.memory_space<vmem_shared>> -> memref<16x128xf32, #tpu.memory_space<vmem_shared>>
    tpu.enqueue_dma source(%arg13 : memref<16x128xf32, #tpu.memory_space<vmem>>) target(%dma_start3A_278 : memref<16x128xf32, #tpu.memory_space<vmem_shared>>) target_semaphore(%arg24 : memref<!tpu.dma_semaphore, #tpu.memory_space<semaphore_mem>>)
    %mul3A_279 = arith.constant 624 : i32
    %mul3A_280 = arith.muli %arg1, %mul3A_279 : i32
    %add3A_281 = arith.constant 544 : i32
    %add3A_282 = arith.addi %mul3A_280, %add3A_281 : i32
    %dma_start3A_283 = arith.constant 0 : i32
    %dma_start3A_284 = tpu.memref_slice %arg12[%add3A_282, %dma_start3A_283] : memref<10000x128xf32, #tpu.memory_space<vmem_shared>> -> memref<16x128xf32, #tpu.memory_space<vmem_shared>>
    %dma_start3A_285 = arith.constant 0 : i32
    %dma_start3A_286 = tpu.memref_slice %arg12[%add3A_282, %dma_start3A_285] : memref<10000x128xf32, #tpu.memory_space<vmem_shared>> -> memref<16x128xf32, #tpu.memory_space<vmem_shared>>
    tpu.enqueue_dma source(%arg13 : memref<16x128xf32, #tpu.memory_space<vmem>>) target(%dma_start3A_286 : memref<16x128xf32, #tpu.memory_space<vmem_shared>>) target_semaphore(%arg24 : memref<!tpu.dma_semaphore, #tpu.memory_space<semaphore_mem>>)
    %mul3A_287 = arith.constant 624 : i32
    %mul3A_288 = arith.muli %arg1, %mul3A_287 : i32
    %add3A_289 = arith.constant 560 : i32
    %add3A_290 = arith.addi %mul3A_288, %add3A_289 : i32
    %dma_start3A_291 = arith.constant 0 : i32
    %dma_start3A_292 = tpu.memref_slice %arg12[%add3A_290, %dma_start3A_291] : memref<10000x128xf32, #tpu.memory_space<vmem_shared>> -> memref<16x128xf32, #tpu.memory_space<vmem_shared>>
    %dma_start3A_293 = arith.constant 0 : i32
    %dma_start3A_294 = tpu.memref_slice %arg12[%add3A_290, %dma_start3A_293] : memref<10000x128xf32, #tpu.memory_space<vmem_shared>> -> memref<16x128xf32, #tpu.memory_space<vmem_shared>>
    tpu.enqueue_dma source(%arg13 : memref<16x128xf32, #tpu.memory_space<vmem>>) target(%dma_start3A_294 : memref<16x128xf32, #tpu.memory_space<vmem_shared>>) target_semaphore(%arg24 : memref<!tpu.dma_semaphore, #tpu.memory_space<semaphore_mem>>)
    %mul3A_295 = arith.constant 624 : i32
    %mul3A_296 = arith.muli %arg1, %mul3A_295 : i32
    %add3A_297 = arith.constant 576 : i32
    %add3A_298 = arith.addi %mul3A_296, %add3A_297 : i32
    %dma_start3A_299 = arith.constant 0 : i32
    %dma_start3A_300 = tpu.memref_slice %arg12[%add3A_298, %dma_start3A_299] : memref<10000x128xf32, #tpu.memory_space<vmem_shared>> -> memref<16x128xf32, #tpu.memory_space<vmem_shared>>
    %dma_start3A_301 = arith.constant 0 : i32
    %dma_start3A_302 = tpu.memref_slice %arg12[%add3A_298, %dma_start3A_301] : memref<10000x128xf32, #tpu.memory_space<vmem_shared>> -> memref<16x128xf32, #tpu.memory_space<vmem_shared>>
    tpu.enqueue_dma source(%arg13 : memref<16x128xf32, #tpu.memory_space<vmem>>) target(%dma_start3A_302 : memref<16x128xf32, #tpu.memory_space<vmem_shared>>) target_semaphore(%arg24 : memref<!tpu.dma_semaphore, #tpu.memory_space<semaphore_mem>>)
    %mul3A_303 = arith.constant 624 : i32
    %mul3A_304 = arith.muli %arg1, %mul3A_303 : i32
    %add3A_305 = arith.constant 592 : i32
    %add3A_306 = arith.addi %mul3A_304, %add3A_305 : i32
    %dma_start3A_307 = arith.constant 0 : i32
    %dma_start3A_308 = tpu.memref_slice %arg12[%add3A_306, %dma_start3A_307] : memref<10000x128xf32, #tpu.memory_space<vmem_shared>> -> memref<16x128xf32, #tpu.memory_space<vmem_shared>>
    %dma_start3A_309 = arith.constant 0 : i32
    %dma_start3A_310 = tpu.memref_slice %arg12[%add3A_306, %dma_start3A_309] : memref<10000x128xf32, #tpu.memory_space<vmem_shared>> -> memref<16x128xf32, #tpu.memory_space<vmem_shared>>
    tpu.enqueue_dma source(%arg13 : memref<16x128xf32, #tpu.memory_space<vmem>>) target(%dma_start3A_310 : memref<16x128xf32, #tpu.memory_space<vmem_shared>>) target_semaphore(%arg24 : memref<!tpu.dma_semaphore, #tpu.memory_space<semaphore_mem>>)
    %mul3A_311 = arith.constant 624 : i32
    %mul3A_312 = arith.muli %arg1, %mul3A_311 : i32
    %add3A_313 = arith.constant 608 : i32
    %add3A_314 = arith.addi %mul3A_312, %add3A_313 : i32
    %dma_start3A_315 = arith.constant 0 : i32
    %dma_start3A_316 = tpu.memref_slice %arg12[%add3A_314, %dma_start3A_315] : memref<10000x128xf32, #tpu.memory_space<vmem_shared>> -> memref<16x128xf32, #tpu.memory_space<vmem_shared>>
    %dma_start3A_317 = arith.constant 0 : i32
    %dma_start3A_318 = tpu.memref_slice %arg12[%add3A_314, %dma_start3A_317] : memref<10000x128xf32, #tpu.memory_space<vmem_shared>> -> memref<16x128xf32, #tpu.memory_space<vmem_shared>>
    tpu.enqueue_dma source(%arg13 : memref<16x128xf32, #tpu.memory_space<vmem>>) target(%dma_start3A_318 : memref<16x128xf32, #tpu.memory_space<vmem_shared>>) target_semaphore(%arg24 : memref<!tpu.dma_semaphore, #tpu.memory_space<semaphore_mem>>)
    %eq3A = arith.constant 0 : i32
    %eq3A_319 = arith.cmpi eq, %arg1, %eq3A : i32
    %convert_element_type3A = arith.extui %eq3A_319 : i1 to i32
    %cond3A = arith.constant 0 : i32
    %cond3A_320 = arith.cmpi ne, %convert_element_type3A, %cond3A : i32
    scf.if %cond3A_320 {
      "tpu.region"() ({
        %run_scoped3A = tpu.sem_alloc : memref<!tpu.dma_semaphore, #tpu.memory_space<semaphore_mem>>
        %dma_start3A_649 = arith.constant 0 : i32
        %dma_start3A_650 = arith.constant 0 : i32
        %dma_start3A_651 = tpu.memref_slice %arg13[%dma_start3A_649, %dma_start3A_650] : memref<16x128xf32, #tpu.memory_space<vmem>> -> memref<16x128xf32, #tpu.memory_space<vmem>>
        %dma_start3A_652 = arith.constant 9984 : i32
        %dma_start3A_653 = arith.constant 0 : i32
        %dma_start3A_654 = tpu.memref_slice %arg12[%dma_start3A_652, %dma_start3A_653] : memref<10000x128xf32, #tpu.memory_space<vmem_shared>> -> memref<16x128xf32, #tpu.memory_space<vmem_shared>>
        %dma_start3A_655 = arith.constant 9984 : i32
        %dma_start3A_656 = arith.constant 0 : i32
        %dma_start3A_657 = tpu.memref_slice %arg12[%dma_start3A_655, %dma_start3A_656] : memref<10000x128xf32, #tpu.memory_space<vmem_shared>> -> memref<16x128xf32, #tpu.memory_space<vmem_shared>>
        %dma_start3A_658 = arith.constant 0 : i32
        %dma_start3A_659 = arith.constant 0 : i32
        %dma_start3A_660 = tpu.memref_slice %arg13[%dma_start3A_658, %dma_start3A_659] : memref<16x128xf32, #tpu.memory_space<vmem>> -> memref<16x128xf32, #tpu.memory_space<vmem>>
        tpu.enqueue_dma source(%dma_start3A_660 : memref<16x128xf32, #tpu.memory_space<vmem>>) target(%dma_start3A_657 : memref<16x128xf32, #tpu.memory_space<vmem_shared>>) target_semaphore(%run_scoped3A : memref<!tpu.dma_semaphore, #tpu.memory_space<semaphore_mem>>)
        %dma_wait3A_661 = arith.constant 0 : i32
        %dma_wait3A_662 = arith.constant 0 : i32
        %dma_wait3A_663 = tpu.memref_slice %arg13[%dma_wait3A_661, %dma_wait3A_662] : memref<16x128xf32, #tpu.memory_space<vmem>> -> memref<16x128xf32, #tpu.memory_space<vmem>>
        %dma_wait3A_664 = arith.constant 9984 : i32
        %dma_wait3A_665 = arith.constant 0 : i32
        %dma_wait3A_666 = tpu.memref_slice %arg12[%dma_wait3A_664, %dma_wait3A_665] : memref<10000x128xf32, #tpu.memory_space<vmem_shared>> -> memref<16x128xf32, #tpu.memory_space<vmem_shared>>
        %dma_wait3A_667 = arith.constant 9984 : i32
        %dma_wait3A_668 = arith.constant 0 : i32
        %dma_wait3A_669 = tpu.memref_slice %arg12[%dma_wait3A_667, %dma_wait3A_668] : memref<10000x128xf32, #tpu.memory_space<vmem_shared>> -> memref<16x128xf32, #tpu.memory_space<vmem_shared>>
        %dma_wait3A_670 = arith.constant 0 : i32
        %dma_wait3A_671 = arith.constant 0 : i32
        %dma_wait3A_672 = tpu.memref_slice %arg13[%dma_wait3A_670, %dma_wait3A_671] : memref<16x128xf32, #tpu.memory_space<vmem>> -> memref<16x128xf32, #tpu.memory_space<vmem>>
        tpu.wait_dma2 semaphore(%run_scoped3A : memref<!tpu.dma_semaphore, #tpu.memory_space<semaphore_mem>>) src(%dma_wait3A_672 : memref<16x128xf32, #tpu.memory_space<vmem>>) dst(%dma_wait3A_669 : memref<16x128xf32, #tpu.memory_space<vmem_shared>>)
        tpu.yield
      }) : () -> ()
    } else {
    }
    %mul3A_321 = arith.constant 624 : i32
    %mul3A_322 = arith.muli %arg1, %mul3A_321 : i32
    %add3A_323 = arith.constant 0 : i32
    %add3A_324 = arith.addi %mul3A_322, %add3A_323 : i32
    %dma_wait3A = arith.constant 0 : i32
    %dma_wait3A_325 = tpu.memref_slice %arg12[%add3A_324, %dma_wait3A] : memref<10000x128xf32, #tpu.memory_space<vmem_shared>> -> memref<16x128xf32, #tpu.memory_space<vmem_shared>>
    %dma_wait3A_326 = arith.constant 0 : i32
    %dma_wait3A_327 = tpu.memref_slice %arg12[%add3A_324, %dma_wait3A_326] : memref<10000x128xf32, #tpu.memory_space<vmem_shared>> -> memref<16x128xf32, #tpu.memory_space<vmem_shared>>
    tpu.wait_dma2 semaphore(%arg24 : memref<!tpu.dma_semaphore, #tpu.memory_space<semaphore_mem>>) src(%arg13 : memref<16x128xf32, #tpu.memory_space<vmem>>) dst(%dma_wait3A_327 : memref<16x128xf32, #tpu.memory_space<vmem_shared>>)
    %mul3A_328 = arith.constant 624 : i32
    %mul3A_329 = arith.muli %arg1, %mul3A_328 : i32
    %add3A_330 = arith.constant 16 : i32
    %add3A_331 = arith.addi %mul3A_329, %add3A_330 : i32
    %dma_wait3A_332 = arith.constant 0 : i32
    %dma_wait3A_333 = tpu.memref_slice %arg12[%add3A_331, %dma_wait3A_332] : memref<10000x128xf32, #tpu.memory_space<vmem_shared>> -> memref<16x128xf32, #tpu.memory_space<vmem_shared>>
    %dma_wait3A_334 = arith.constant 0 : i32
    %dma_wait3A_335 = tpu.memref_slice %arg12[%add3A_331, %dma_wait3A_334] : memref<10000x128xf32, #tpu.memory_space<vmem_shared>> -> memref<16x128xf32, #tpu.memory_space<vmem_shared>>
    tpu.wait_dma2 semaphore(%arg24 : memref<!tpu.dma_semaphore, #tpu.memory_space<semaphore_mem>>) src(%arg13 : memref<16x128xf32, #tpu.memory_space<vmem>>) dst(%dma_wait3A_335 : memref<16x128xf32, #tpu.memory_space<vmem_shared>>)
    %mul3A_336 = arith.constant 624 : i32
    %mul3A_337 = arith.muli %arg1, %mul3A_336 : i32
    %add3A_338 = arith.constant 32 : i32
    %add3A_339 = arith.addi %mul3A_337, %add3A_338 : i32
    %dma_wait3A_340 = arith.constant 0 : i32
    %dma_wait3A_341 = tpu.memref_slice %arg12[%add3A_339, %dma_wait3A_340] : memref<10000x128xf32, #tpu.memory_space<vmem_shared>> -> memref<16x128xf32, #tpu.memory_space<vmem_shared>>
    %dma_wait3A_342 = arith.constant 0 : i32
    %dma_wait3A_343 = tpu.memref_slice %arg12[%add3A_339, %dma_wait3A_342] : memref<10000x128xf32, #tpu.memory_space<vmem_shared>> -> memref<16x128xf32, #tpu.memory_space<vmem_shared>>
    tpu.wait_dma2 semaphore(%arg24 : memref<!tpu.dma_semaphore, #tpu.memory_space<semaphore_mem>>) src(%arg13 : memref<16x128xf32, #tpu.memory_space<vmem>>) dst(%dma_wait3A_343 : memref<16x128xf32, #tpu.memory_space<vmem_shared>>)
    %mul3A_344 = arith.constant 624 : i32
    %mul3A_345 = arith.muli %arg1, %mul3A_344 : i32
    %add3A_346 = arith.constant 48 : i32
    %add3A_347 = arith.addi %mul3A_345, %add3A_346 : i32
    %dma_wait3A_348 = arith.constant 0 : i32
    %dma_wait3A_349 = tpu.memref_slice %arg12[%add3A_347, %dma_wait3A_348] : memref<10000x128xf32, #tpu.memory_space<vmem_shared>> -> memref<16x128xf32, #tpu.memory_space<vmem_shared>>
    %dma_wait3A_350 = arith.constant 0 : i32
    %dma_wait3A_351 = tpu.memref_slice %arg12[%add3A_347, %dma_wait3A_350] : memref<10000x128xf32, #tpu.memory_space<vmem_shared>> -> memref<16x128xf32, #tpu.memory_space<vmem_shared>>
    tpu.wait_dma2 semaphore(%arg24 : memref<!tpu.dma_semaphore, #tpu.memory_space<semaphore_mem>>) src(%arg13 : memref<16x128xf32, #tpu.memory_space<vmem>>) dst(%dma_wait3A_351 : memref<16x128xf32, #tpu.memory_space<vmem_shared>>)
    %mul3A_352 = arith.constant 624 : i32
    %mul3A_353 = arith.muli %arg1, %mul3A_352 : i32
    %add3A_354 = arith.constant 64 : i32
    %add3A_355 = arith.addi %mul3A_353, %add3A_354 : i32
    %dma_wait3A_356 = arith.constant 0 : i32
    %dma_wait3A_357 = tpu.memref_slice %arg12[%add3A_355, %dma_wait3A_356] : memref<10000x128xf32, #tpu.memory_space<vmem_shared>> -> memref<16x128xf32, #tpu.memory_space<vmem_shared>>
    %dma_wait3A_358 = arith.constant 0 : i32
    %dma_wait3A_359 = tpu.memref_slice %arg12[%add3A_355, %dma_wait3A_358] : memref<10000x128xf32, #tpu.memory_space<vmem_shared>> -> memref<16x128xf32, #tpu.memory_space<vmem_shared>>
    tpu.wait_dma2 semaphore(%arg24 : memref<!tpu.dma_semaphore, #tpu.memory_space<semaphore_mem>>) src(%arg13 : memref<16x128xf32, #tpu.memory_space<vmem>>) dst(%dma_wait3A_359 : memref<16x128xf32, #tpu.memory_space<vmem_shared>>)
    %mul3A_360 = arith.constant 624 : i32
    %mul3A_361 = arith.muli %arg1, %mul3A_360 : i32
    %add3A_362 = arith.constant 80 : i32
    %add3A_363 = arith.addi %mul3A_361, %add3A_362 : i32
    %dma_wait3A_364 = arith.constant 0 : i32
    %dma_wait3A_365 = tpu.memref_slice %arg12[%add3A_363, %dma_wait3A_364] : memref<10000x128xf32, #tpu.memory_space<vmem_shared>> -> memref<16x128xf32, #tpu.memory_space<vmem_shared>>
    %dma_wait3A_366 = arith.constant 0 : i32
    %dma_wait3A_367 = tpu.memref_slice %arg12[%add3A_363, %dma_wait3A_366] : memref<10000x128xf32, #tpu.memory_space<vmem_shared>> -> memref<16x128xf32, #tpu.memory_space<vmem_shared>>
    tpu.wait_dma2 semaphore(%arg24 : memref<!tpu.dma_semaphore, #tpu.memory_space<semaphore_mem>>) src(%arg13 : memref<16x128xf32, #tpu.memory_space<vmem>>) dst(%dma_wait3A_367 : memref<16x128xf32, #tpu.memory_space<vmem_shared>>)
    %mul3A_368 = arith.constant 624 : i32
    %mul3A_369 = arith.muli %arg1, %mul3A_368 : i32
    %add3A_370 = arith.constant 96 : i32
    %add3A_371 = arith.addi %mul3A_369, %add3A_370 : i32
    %dma_wait3A_372 = arith.constant 0 : i32
    %dma_wait3A_373 = tpu.memref_slice %arg12[%add3A_371, %dma_wait3A_372] : memref<10000x128xf32, #tpu.memory_space<vmem_shared>> -> memref<16x128xf32, #tpu.memory_space<vmem_shared>>
    %dma_wait3A_374 = arith.constant 0 : i32
    %dma_wait3A_375 = tpu.memref_slice %arg12[%add3A_371, %dma_wait3A_374] : memref<10000x128xf32, #tpu.memory_space<vmem_shared>> -> memref<16x128xf32, #tpu.memory_space<vmem_shared>>
    tpu.wait_dma2 semaphore(%arg24 : memref<!tpu.dma_semaphore, #tpu.memory_space<semaphore_mem>>) src(%arg13 : memref<16x128xf32, #tpu.memory_space<vmem>>) dst(%dma_wait3A_375 : memref<16x128xf32, #tpu.memory_space<vmem_shared>>)
    %mul3A_376 = arith.constant 624 : i32
    %mul3A_377 = arith.muli %arg1, %mul3A_376 : i32
    %add3A_378 = arith.constant 112 : i32
    %add3A_379 = arith.addi %mul3A_377, %add3A_378 : i32
    %dma_wait3A_380 = arith.constant 0 : i32
    %dma_wait3A_381 = tpu.memref_slice %arg12[%add3A_379, %dma_wait3A_380] : memref<10000x128xf32, #tpu.memory_space<vmem_shared>> -> memref<16x128xf32, #tpu.memory_space<vmem_shared>>
    %dma_wait3A_382 = arith.constant 0 : i32
    %dma_wait3A_383 = tpu.memref_slice %arg12[%add3A_379, %dma_wait3A_382] : memref<10000x128xf32, #tpu.memory_space<vmem_shared>> -> memref<16x128xf32, #tpu.memory_space<vmem_shared>>
    tpu.wait_dma2 semaphore(%arg24 : memref<!tpu.dma_semaphore, #tpu.memory_space<semaphore_mem>>) src(%arg13 : memref<16x128xf32, #tpu.memory_space<vmem>>) dst(%dma_wait3A_383 : memref<16x128xf32, #tpu.memory_space<vmem_shared>>)
    %mul3A_384 = arith.constant 624 : i32
    %mul3A_385 = arith.muli %arg1, %mul3A_384 : i32
    %add3A_386 = arith.constant 128 : i32
    %add3A_387 = arith.addi %mul3A_385, %add3A_386 : i32
    %dma_wait3A_388 = arith.constant 0 : i32
    %dma_wait3A_389 = tpu.memref_slice %arg12[%add3A_387, %dma_wait3A_388] : memref<10000x128xf32, #tpu.memory_space<vmem_shared>> -> memref<16x128xf32, #tpu.memory_space<vmem_shared>>
    %dma_wait3A_390 = arith.constant 0 : i32
    %dma_wait3A_391 = tpu.memref_slice %arg12[%add3A_387, %dma_wait3A_390] : memref<10000x128xf32, #tpu.memory_space<vmem_shared>> -> memref<16x128xf32, #tpu.memory_space<vmem_shared>>
    tpu.wait_dma2 semaphore(%arg24 : memref<!tpu.dma_semaphore, #tpu.memory_space<semaphore_mem>>) src(%arg13 : memref<16x128xf32, #tpu.memory_space<vmem>>) dst(%dma_wait3A_391 : memref<16x128xf32, #tpu.memory_space<vmem_shared>>)
    %mul3A_392 = arith.constant 624 : i32
    %mul3A_393 = arith.muli %arg1, %mul3A_392 : i32
    %add3A_394 = arith.constant 144 : i32
    %add3A_395 = arith.addi %mul3A_393, %add3A_394 : i32
    %dma_wait3A_396 = arith.constant 0 : i32
    %dma_wait3A_397 = tpu.memref_slice %arg12[%add3A_395, %dma_wait3A_396] : memref<10000x128xf32, #tpu.memory_space<vmem_shared>> -> memref<16x128xf32, #tpu.memory_space<vmem_shared>>
    %dma_wait3A_398 = arith.constant 0 : i32
    %dma_wait3A_399 = tpu.memref_slice %arg12[%add3A_395, %dma_wait3A_398] : memref<10000x128xf32, #tpu.memory_space<vmem_shared>> -> memref<16x128xf32, #tpu.memory_space<vmem_shared>>
    tpu.wait_dma2 semaphore(%arg24 : memref<!tpu.dma_semaphore, #tpu.memory_space<semaphore_mem>>) src(%arg13 : memref<16x128xf32, #tpu.memory_space<vmem>>) dst(%dma_wait3A_399 : memref<16x128xf32, #tpu.memory_space<vmem_shared>>)
    %mul3A_400 = arith.constant 624 : i32
    %mul3A_401 = arith.muli %arg1, %mul3A_400 : i32
    %add3A_402 = arith.constant 160 : i32
    %add3A_403 = arith.addi %mul3A_401, %add3A_402 : i32
    %dma_wait3A_404 = arith.constant 0 : i32
    %dma_wait3A_405 = tpu.memref_slice %arg12[%add3A_403, %dma_wait3A_404] : memref<10000x128xf32, #tpu.memory_space<vmem_shared>> -> memref<16x128xf32, #tpu.memory_space<vmem_shared>>
    %dma_wait3A_406 = arith.constant 0 : i32
    %dma_wait3A_407 = tpu.memref_slice %arg12[%add3A_403, %dma_wait3A_406] : memref<10000x128xf32, #tpu.memory_space<vmem_shared>> -> memref<16x128xf32, #tpu.memory_space<vmem_shared>>
    tpu.wait_dma2 semaphore(%arg24 : memref<!tpu.dma_semaphore, #tpu.memory_space<semaphore_mem>>) src(%arg13 : memref<16x128xf32, #tpu.memory_space<vmem>>) dst(%dma_wait3A_407 : memref<16x128xf32, #tpu.memory_space<vmem_shared>>)
    %mul3A_408 = arith.constant 624 : i32
    %mul3A_409 = arith.muli %arg1, %mul3A_408 : i32
    %add3A_410 = arith.constant 176 : i32
    %add3A_411 = arith.addi %mul3A_409, %add3A_410 : i32
    %dma_wait3A_412 = arith.constant 0 : i32
    %dma_wait3A_413 = tpu.memref_slice %arg12[%add3A_411, %dma_wait3A_412] : memref<10000x128xf32, #tpu.memory_space<vmem_shared>> -> memref<16x128xf32, #tpu.memory_space<vmem_shared>>
    %dma_wait3A_414 = arith.constant 0 : i32
    %dma_wait3A_415 = tpu.memref_slice %arg12[%add3A_411, %dma_wait3A_414] : memref<10000x128xf32, #tpu.memory_space<vmem_shared>> -> memref<16x128xf32, #tpu.memory_space<vmem_shared>>
    tpu.wait_dma2 semaphore(%arg24 : memref<!tpu.dma_semaphore, #tpu.memory_space<semaphore_mem>>) src(%arg13 : memref<16x128xf32, #tpu.memory_space<vmem>>) dst(%dma_wait3A_415 : memref<16x128xf32, #tpu.memory_space<vmem_shared>>)
    %mul3A_416 = arith.constant 624 : i32
    %mul3A_417 = arith.muli %arg1, %mul3A_416 : i32
    %add3A_418 = arith.constant 192 : i32
    %add3A_419 = arith.addi %mul3A_417, %add3A_418 : i32
    %dma_wait3A_420 = arith.constant 0 : i32
    %dma_wait3A_421 = tpu.memref_slice %arg12[%add3A_419, %dma_wait3A_420] : memref<10000x128xf32, #tpu.memory_space<vmem_shared>> -> memref<16x128xf32, #tpu.memory_space<vmem_shared>>
    %dma_wait3A_422 = arith.constant 0 : i32
    %dma_wait3A_423 = tpu.memref_slice %arg12[%add3A_419, %dma_wait3A_422] : memref<10000x128xf32, #tpu.memory_space<vmem_shared>> -> memref<16x128xf32, #tpu.memory_space<vmem_shared>>
    tpu.wait_dma2 semaphore(%arg24 : memref<!tpu.dma_semaphore, #tpu.memory_space<semaphore_mem>>) src(%arg13 : memref<16x128xf32, #tpu.memory_space<vmem>>) dst(%dma_wait3A_423 : memref<16x128xf32, #tpu.memory_space<vmem_shared>>)
    %mul3A_424 = arith.constant 624 : i32
    %mul3A_425 = arith.muli %arg1, %mul3A_424 : i32
    %add3A_426 = arith.constant 208 : i32
    %add3A_427 = arith.addi %mul3A_425, %add3A_426 : i32
    %dma_wait3A_428 = arith.constant 0 : i32
    %dma_wait3A_429 = tpu.memref_slice %arg12[%add3A_427, %dma_wait3A_428] : memref<10000x128xf32, #tpu.memory_space<vmem_shared>> -> memref<16x128xf32, #tpu.memory_space<vmem_shared>>
    %dma_wait3A_430 = arith.constant 0 : i32
    %dma_wait3A_431 = tpu.memref_slice %arg12[%add3A_427, %dma_wait3A_430] : memref<10000x128xf32, #tpu.memory_space<vmem_shared>> -> memref<16x128xf32, #tpu.memory_space<vmem_shared>>
    tpu.wait_dma2 semaphore(%arg24 : memref<!tpu.dma_semaphore, #tpu.memory_space<semaphore_mem>>) src(%arg13 : memref<16x128xf32, #tpu.memory_space<vmem>>) dst(%dma_wait3A_431 : memref<16x128xf32, #tpu.memory_space<vmem_shared>>)
    %mul3A_432 = arith.constant 624 : i32
    %mul3A_433 = arith.muli %arg1, %mul3A_432 : i32
    %add3A_434 = arith.constant 224 : i32
    %add3A_435 = arith.addi %mul3A_433, %add3A_434 : i32
    %dma_wait3A_436 = arith.constant 0 : i32
    %dma_wait3A_437 = tpu.memref_slice %arg12[%add3A_435, %dma_wait3A_436] : memref<10000x128xf32, #tpu.memory_space<vmem_shared>> -> memref<16x128xf32, #tpu.memory_space<vmem_shared>>
    %dma_wait3A_438 = arith.constant 0 : i32
    %dma_wait3A_439 = tpu.memref_slice %arg12[%add3A_435, %dma_wait3A_438] : memref<10000x128xf32, #tpu.memory_space<vmem_shared>> -> memref<16x128xf32, #tpu.memory_space<vmem_shared>>
    tpu.wait_dma2 semaphore(%arg24 : memref<!tpu.dma_semaphore, #tpu.memory_space<semaphore_mem>>) src(%arg13 : memref<16x128xf32, #tpu.memory_space<vmem>>) dst(%dma_wait3A_439 : memref<16x128xf32, #tpu.memory_space<vmem_shared>>)
    %mul3A_440 = arith.constant 624 : i32
    %mul3A_441 = arith.muli %arg1, %mul3A_440 : i32
    %add3A_442 = arith.constant 240 : i32
    %add3A_443 = arith.addi %mul3A_441, %add3A_442 : i32
    %dma_wait3A_444 = arith.constant 0 : i32
    %dma_wait3A_445 = tpu.memref_slice %arg12[%add3A_443, %dma_wait3A_444] : memref<10000x128xf32, #tpu.memory_space<vmem_shared>> -> memref<16x128xf32, #tpu.memory_space<vmem_shared>>
    %dma_wait3A_446 = arith.constant 0 : i32
    %dma_wait3A_447 = tpu.memref_slice %arg12[%add3A_443, %dma_wait3A_446] : memref<10000x128xf32, #tpu.memory_space<vmem_shared>> -> memref<16x128xf32, #tpu.memory_space<vmem_shared>>
    tpu.wait_dma2 semaphore(%arg24 : memref<!tpu.dma_semaphore, #tpu.memory_space<semaphore_mem>>) src(%arg13 : memref<16x128xf32, #tpu.memory_space<vmem>>) dst(%dma_wait3A_447 : memref<16x128xf32, #tpu.memory_space<vmem_shared>>)
    %mul3A_448 = arith.constant 624 : i32
    %mul3A_449 = arith.muli %arg1, %mul3A_448 : i32
    %add3A_450 = arith.constant 256 : i32
    %add3A_451 = arith.addi %mul3A_449, %add3A_450 : i32
    %dma_wait3A_452 = arith.constant 0 : i32
    %dma_wait3A_453 = tpu.memref_slice %arg12[%add3A_451, %dma_wait3A_452] : memref<10000x128xf32, #tpu.memory_space<vmem_shared>> -> memref<16x128xf32, #tpu.memory_space<vmem_shared>>
    %dma_wait3A_454 = arith.constant 0 : i32
    %dma_wait3A_455 = tpu.memref_slice %arg12[%add3A_451, %dma_wait3A_454] : memref<10000x128xf32, #tpu.memory_space<vmem_shared>> -> memref<16x128xf32, #tpu.memory_space<vmem_shared>>
    tpu.wait_dma2 semaphore(%arg24 : memref<!tpu.dma_semaphore, #tpu.memory_space<semaphore_mem>>) src(%arg13 : memref<16x128xf32, #tpu.memory_space<vmem>>) dst(%dma_wait3A_455 : memref<16x128xf32, #tpu.memory_space<vmem_shared>>)
    %mul3A_456 = arith.constant 624 : i32
    %mul3A_457 = arith.muli %arg1, %mul3A_456 : i32
    %add3A_458 = arith.constant 272 : i32
    %add3A_459 = arith.addi %mul3A_457, %add3A_458 : i32
    %dma_wait3A_460 = arith.constant 0 : i32
    %dma_wait3A_461 = tpu.memref_slice %arg12[%add3A_459, %dma_wait3A_460] : memref<10000x128xf32, #tpu.memory_space<vmem_shared>> -> memref<16x128xf32, #tpu.memory_space<vmem_shared>>
    %dma_wait3A_462 = arith.constant 0 : i32
    %dma_wait3A_463 = tpu.memref_slice %arg12[%add3A_459, %dma_wait3A_462] : memref<10000x128xf32, #tpu.memory_space<vmem_shared>> -> memref<16x128xf32, #tpu.memory_space<vmem_shared>>
    tpu.wait_dma2 semaphore(%arg24 : memref<!tpu.dma_semaphore, #tpu.memory_space<semaphore_mem>>) src(%arg13 : memref<16x128xf32, #tpu.memory_space<vmem>>) dst(%dma_wait3A_463 : memref<16x128xf32, #tpu.memory_space<vmem_shared>>)
    %mul3A_464 = arith.constant 624 : i32
    %mul3A_465 = arith.muli %arg1, %mul3A_464 : i32
    %add3A_466 = arith.constant 288 : i32
    %add3A_467 = arith.addi %mul3A_465, %add3A_466 : i32
    %dma_wait3A_468 = arith.constant 0 : i32
    %dma_wait3A_469 = tpu.memref_slice %arg12[%add3A_467, %dma_wait3A_468] : memref<10000x128xf32, #tpu.memory_space<vmem_shared>> -> memref<16x128xf32, #tpu.memory_space<vmem_shared>>
    %dma_wait3A_470 = arith.constant 0 : i32
    %dma_wait3A_471 = tpu.memref_slice %arg12[%add3A_467, %dma_wait3A_470] : memref<10000x128xf32, #tpu.memory_space<vmem_shared>> -> memref<16x128xf32, #tpu.memory_space<vmem_shared>>
    tpu.wait_dma2 semaphore(%arg24 : memref<!tpu.dma_semaphore, #tpu.memory_space<semaphore_mem>>) src(%arg13 : memref<16x128xf32, #tpu.memory_space<vmem>>) dst(%dma_wait3A_471 : memref<16x128xf32, #tpu.memory_space<vmem_shared>>)
    %mul3A_472 = arith.constant 624 : i32
    %mul3A_473 = arith.muli %arg1, %mul3A_472 : i32
    %add3A_474 = arith.constant 304 : i32
    %add3A_475 = arith.addi %mul3A_473, %add3A_474 : i32
    %dma_wait3A_476 = arith.constant 0 : i32
    %dma_wait3A_477 = tpu.memref_slice %arg12[%add3A_475, %dma_wait3A_476] : memref<10000x128xf32, #tpu.memory_space<vmem_shared>> -> memref<16x128xf32, #tpu.memory_space<vmem_shared>>
    %dma_wait3A_478 = arith.constant 0 : i32
    %dma_wait3A_479 = tpu.memref_slice %arg12[%add3A_475, %dma_wait3A_478] : memref<10000x128xf32, #tpu.memory_space<vmem_shared>> -> memref<16x128xf32, #tpu.memory_space<vmem_shared>>
    tpu.wait_dma2 semaphore(%arg24 : memref<!tpu.dma_semaphore, #tpu.memory_space<semaphore_mem>>) src(%arg13 : memref<16x128xf32, #tpu.memory_space<vmem>>) dst(%dma_wait3A_479 : memref<16x128xf32, #tpu.memory_space<vmem_shared>>)
    %mul3A_480 = arith.constant 624 : i32
    %mul3A_481 = arith.muli %arg1, %mul3A_480 : i32
    %add3A_482 = arith.constant 320 : i32
    %add3A_483 = arith.addi %mul3A_481, %add3A_482 : i32
    %dma_wait3A_484 = arith.constant 0 : i32
    %dma_wait3A_485 = tpu.memref_slice %arg12[%add3A_483, %dma_wait3A_484] : memref<10000x128xf32, #tpu.memory_space<vmem_shared>> -> memref<16x128xf32, #tpu.memory_space<vmem_shared>>
    %dma_wait3A_486 = arith.constant 0 : i32
    %dma_wait3A_487 = tpu.memref_slice %arg12[%add3A_483, %dma_wait3A_486] : memref<10000x128xf32, #tpu.memory_space<vmem_shared>> -> memref<16x128xf32, #tpu.memory_space<vmem_shared>>
    tpu.wait_dma2 semaphore(%arg24 : memref<!tpu.dma_semaphore, #tpu.memory_space<semaphore_mem>>) src(%arg13 : memref<16x128xf32, #tpu.memory_space<vmem>>) dst(%dma_wait3A_487 : memref<16x128xf32, #tpu.memory_space<vmem_shared>>)
    %mul3A_488 = arith.constant 624 : i32
    %mul3A_489 = arith.muli %arg1, %mul3A_488 : i32
    %add3A_490 = arith.constant 336 : i32
    %add3A_491 = arith.addi %mul3A_489, %add3A_490 : i32
    %dma_wait3A_492 = arith.constant 0 : i32
    %dma_wait3A_493 = tpu.memref_slice %arg12[%add3A_491, %dma_wait3A_492] : memref<10000x128xf32, #tpu.memory_space<vmem_shared>> -> memref<16x128xf32, #tpu.memory_space<vmem_shared>>
    %dma_wait3A_494 = arith.constant 0 : i32
    %dma_wait3A_495 = tpu.memref_slice %arg12[%add3A_491, %dma_wait3A_494] : memref<10000x128xf32, #tpu.memory_space<vmem_shared>> -> memref<16x128xf32, #tpu.memory_space<vmem_shared>>
    tpu.wait_dma2 semaphore(%arg24 : memref<!tpu.dma_semaphore, #tpu.memory_space<semaphore_mem>>) src(%arg13 : memref<16x128xf32, #tpu.memory_space<vmem>>) dst(%dma_wait3A_495 : memref<16x128xf32, #tpu.memory_space<vmem_shared>>)
    %mul3A_496 = arith.constant 624 : i32
    %mul3A_497 = arith.muli %arg1, %mul3A_496 : i32
    %add3A_498 = arith.constant 352 : i32
    %add3A_499 = arith.addi %mul3A_497, %add3A_498 : i32
    %dma_wait3A_500 = arith.constant 0 : i32
    %dma_wait3A_501 = tpu.memref_slice %arg12[%add3A_499, %dma_wait3A_500] : memref<10000x128xf32, #tpu.memory_space<vmem_shared>> -> memref<16x128xf32, #tpu.memory_space<vmem_shared>>
    %dma_wait3A_502 = arith.constant 0 : i32
    %dma_wait3A_503 = tpu.memref_slice %arg12[%add3A_499, %dma_wait3A_502] : memref<10000x128xf32, #tpu.memory_space<vmem_shared>> -> memref<16x128xf32, #tpu.memory_space<vmem_shared>>
    tpu.wait_dma2 semaphore(%arg24 : memref<!tpu.dma_semaphore, #tpu.memory_space<semaphore_mem>>) src(%arg13 : memref<16x128xf32, #tpu.memory_space<vmem>>) dst(%dma_wait3A_503 : memref<16x128xf32, #tpu.memory_space<vmem_shared>>)
    %mul3A_504 = arith.constant 624 : i32
    %mul3A_505 = arith.muli %arg1, %mul3A_504 : i32
    %add3A_506 = arith.constant 368 : i32
    %add3A_507 = arith.addi %mul3A_505, %add3A_506 : i32
    %dma_wait3A_508 = arith.constant 0 : i32
    %dma_wait3A_509 = tpu.memref_slice %arg12[%add3A_507, %dma_wait3A_508] : memref<10000x128xf32, #tpu.memory_space<vmem_shared>> -> memref<16x128xf32, #tpu.memory_space<vmem_shared>>
    %dma_wait3A_510 = arith.constant 0 : i32
    %dma_wait3A_511 = tpu.memref_slice %arg12[%add3A_507, %dma_wait3A_510] : memref<10000x128xf32, #tpu.memory_space<vmem_shared>> -> memref<16x128xf32, #tpu.memory_space<vmem_shared>>
    tpu.wait_dma2 semaphore(%arg24 : memref<!tpu.dma_semaphore, #tpu.memory_space<semaphore_mem>>) src(%arg13 : memref<16x128xf32, #tpu.memory_space<vmem>>) dst(%dma_wait3A_511 : memref<16x128xf32, #tpu.memory_space<vmem_shared>>)
    %mul3A_512 = arith.constant 624 : i32
    %mul3A_513 = arith.muli %arg1, %mul3A_512 : i32
    %add3A_514 = arith.constant 384 : i32
    %add3A_515 = arith.addi %mul3A_513, %add3A_514 : i32
    %dma_wait3A_516 = arith.constant 0 : i32
    %dma_wait3A_517 = tpu.memref_slice %arg12[%add3A_515, %dma_wait3A_516] : memref<10000x128xf32, #tpu.memory_space<vmem_shared>> -> memref<16x128xf32, #tpu.memory_space<vmem_shared>>
    %dma_wait3A_518 = arith.constant 0 : i32
    %dma_wait3A_519 = tpu.memref_slice %arg12[%add3A_515, %dma_wait3A_518] : memref<10000x128xf32, #tpu.memory_space<vmem_shared>> -> memref<16x128xf32, #tpu.memory_space<vmem_shared>>
    tpu.wait_dma2 semaphore(%arg24 : memref<!tpu.dma_semaphore, #tpu.memory_space<semaphore_mem>>) src(%arg13 : memref<16x128xf32, #tpu.memory_space<vmem>>) dst(%dma_wait3A_519 : memref<16x128xf32, #tpu.memory_space<vmem_shared>>)
    %mul3A_520 = arith.constant 624 : i32
    %mul3A_521 = arith.muli %arg1, %mul3A_520 : i32
    %add3A_522 = arith.constant 400 : i32
    %add3A_523 = arith.addi %mul3A_521, %add3A_522 : i32
    %dma_wait3A_524 = arith.constant 0 : i32
    %dma_wait3A_525 = tpu.memref_slice %arg12[%add3A_523, %dma_wait3A_524] : memref<10000x128xf32, #tpu.memory_space<vmem_shared>> -> memref<16x128xf32, #tpu.memory_space<vmem_shared>>
    %dma_wait3A_526 = arith.constant 0 : i32
    %dma_wait3A_527 = tpu.memref_slice %arg12[%add3A_523, %dma_wait3A_526] : memref<10000x128xf32, #tpu.memory_space<vmem_shared>> -> memref<16x128xf32, #tpu.memory_space<vmem_shared>>
    tpu.wait_dma2 semaphore(%arg24 : memref<!tpu.dma_semaphore, #tpu.memory_space<semaphore_mem>>) src(%arg13 : memref<16x128xf32, #tpu.memory_space<vmem>>) dst(%dma_wait3A_527 : memref<16x128xf32, #tpu.memory_space<vmem_shared>>)
    %mul3A_528 = arith.constant 624 : i32
    %mul3A_529 = arith.muli %arg1, %mul3A_528 : i32
    %add3A_530 = arith.constant 416 : i32
    %add3A_531 = arith.addi %mul3A_529, %add3A_530 : i32
    %dma_wait3A_532 = arith.constant 0 : i32
    %dma_wait3A_533 = tpu.memref_slice %arg12[%add3A_531, %dma_wait3A_532] : memref<10000x128xf32, #tpu.memory_space<vmem_shared>> -> memref<16x128xf32, #tpu.memory_space<vmem_shared>>
    %dma_wait3A_534 = arith.constant 0 : i32
    %dma_wait3A_535 = tpu.memref_slice %arg12[%add3A_531, %dma_wait3A_534] : memref<10000x128xf32, #tpu.memory_space<vmem_shared>> -> memref<16x128xf32, #tpu.memory_space<vmem_shared>>
    tpu.wait_dma2 semaphore(%arg24 : memref<!tpu.dma_semaphore, #tpu.memory_space<semaphore_mem>>) src(%arg13 : memref<16x128xf32, #tpu.memory_space<vmem>>) dst(%dma_wait3A_535 : memref<16x128xf32, #tpu.memory_space<vmem_shared>>)
    %mul3A_536 = arith.constant 624 : i32
    %mul3A_537 = arith.muli %arg1, %mul3A_536 : i32
    %add3A_538 = arith.constant 432 : i32
    %add3A_539 = arith.addi %mul3A_537, %add3A_538 : i32
    %dma_wait3A_540 = arith.constant 0 : i32
    %dma_wait3A_541 = tpu.memref_slice %arg12[%add3A_539, %dma_wait3A_540] : memref<10000x128xf32, #tpu.memory_space<vmem_shared>> -> memref<16x128xf32, #tpu.memory_space<vmem_shared>>
    %dma_wait3A_542 = arith.constant 0 : i32
    %dma_wait3A_543 = tpu.memref_slice %arg12[%add3A_539, %dma_wait3A_542] : memref<10000x128xf32, #tpu.memory_space<vmem_shared>> -> memref<16x128xf32, #tpu.memory_space<vmem_shared>>
    tpu.wait_dma2 semaphore(%arg24 : memref<!tpu.dma_semaphore, #tpu.memory_space<semaphore_mem>>) src(%arg13 : memref<16x128xf32, #tpu.memory_space<vmem>>) dst(%dma_wait3A_543 : memref<16x128xf32, #tpu.memory_space<vmem_shared>>)
    %mul3A_544 = arith.constant 624 : i32
    %mul3A_545 = arith.muli %arg1, %mul3A_544 : i32
    %add3A_546 = arith.constant 448 : i32
    %add3A_547 = arith.addi %mul3A_545, %add3A_546 : i32
    %dma_wait3A_548 = arith.constant 0 : i32
    %dma_wait3A_549 = tpu.memref_slice %arg12[%add3A_547, %dma_wait3A_548] : memref<10000x128xf32, #tpu.memory_space<vmem_shared>> -> memref<16x128xf32, #tpu.memory_space<vmem_shared>>
    %dma_wait3A_550 = arith.constant 0 : i32
    %dma_wait3A_551 = tpu.memref_slice %arg12[%add3A_547, %dma_wait3A_550] : memref<10000x128xf32, #tpu.memory_space<vmem_shared>> -> memref<16x128xf32, #tpu.memory_space<vmem_shared>>
    tpu.wait_dma2 semaphore(%arg24 : memref<!tpu.dma_semaphore, #tpu.memory_space<semaphore_mem>>) src(%arg13 : memref<16x128xf32, #tpu.memory_space<vmem>>) dst(%dma_wait3A_551 : memref<16x128xf32, #tpu.memory_space<vmem_shared>>)
    %mul3A_552 = arith.constant 624 : i32
    %mul3A_553 = arith.muli %arg1, %mul3A_552 : i32
    %add3A_554 = arith.constant 464 : i32
    %add3A_555 = arith.addi %mul3A_553, %add3A_554 : i32
    %dma_wait3A_556 = arith.constant 0 : i32
    %dma_wait3A_557 = tpu.memref_slice %arg12[%add3A_555, %dma_wait3A_556] : memref<10000x128xf32, #tpu.memory_space<vmem_shared>> -> memref<16x128xf32, #tpu.memory_space<vmem_shared>>
    %dma_wait3A_558 = arith.constant 0 : i32
    %dma_wait3A_559 = tpu.memref_slice %arg12[%add3A_555, %dma_wait3A_558] : memref<10000x128xf32, #tpu.memory_space<vmem_shared>> -> memref<16x128xf32, #tpu.memory_space<vmem_shared>>
    tpu.wait_dma2 semaphore(%arg24 : memref<!tpu.dma_semaphore, #tpu.memory_space<semaphore_mem>>) src(%arg13 : memref<16x128xf32, #tpu.memory_space<vmem>>) dst(%dma_wait3A_559 : memref<16x128xf32, #tpu.memory_space<vmem_shared>>)
    %mul3A_560 = arith.constant 624 : i32
    %mul3A_561 = arith.muli %arg1, %mul3A_560 : i32
    %add3A_562 = arith.constant 480 : i32
    %add3A_563 = arith.addi %mul3A_561, %add3A_562 : i32
    %dma_wait3A_564 = arith.constant 0 : i32
    %dma_wait3A_565 = tpu.memref_slice %arg12[%add3A_563, %dma_wait3A_564] : memref<10000x128xf32, #tpu.memory_space<vmem_shared>> -> memref<16x128xf32, #tpu.memory_space<vmem_shared>>
    %dma_wait3A_566 = arith.constant 0 : i32
    %dma_wait3A_567 = tpu.memref_slice %arg12[%add3A_563, %dma_wait3A_566] : memref<10000x128xf32, #tpu.memory_space<vmem_shared>> -> memref<16x128xf32, #tpu.memory_space<vmem_shared>>
    tpu.wait_dma2 semaphore(%arg24 : memref<!tpu.dma_semaphore, #tpu.memory_space<semaphore_mem>>) src(%arg13 : memref<16x128xf32, #tpu.memory_space<vmem>>) dst(%dma_wait3A_567 : memref<16x128xf32, #tpu.memory_space<vmem_shared>>)
    %mul3A_568 = arith.constant 624 : i32
    %mul3A_569 = arith.muli %arg1, %mul3A_568 : i32
    %add3A_570 = arith.constant 496 : i32
    %add3A_571 = arith.addi %mul3A_569, %add3A_570 : i32
    %dma_wait3A_572 = arith.constant 0 : i32
    %dma_wait3A_573 = tpu.memref_slice %arg12[%add3A_571, %dma_wait3A_572] : memref<10000x128xf32, #tpu.memory_space<vmem_shared>> -> memref<16x128xf32, #tpu.memory_space<vmem_shared>>
    %dma_wait3A_574 = arith.constant 0 : i32
    %dma_wait3A_575 = tpu.memref_slice %arg12[%add3A_571, %dma_wait3A_574] : memref<10000x128xf32, #tpu.memory_space<vmem_shared>> -> memref<16x128xf32, #tpu.memory_space<vmem_shared>>
    tpu.wait_dma2 semaphore(%arg24 : memref<!tpu.dma_semaphore, #tpu.memory_space<semaphore_mem>>) src(%arg13 : memref<16x128xf32, #tpu.memory_space<vmem>>) dst(%dma_wait3A_575 : memref<16x128xf32, #tpu.memory_space<vmem_shared>>)
    %mul3A_576 = arith.constant 624 : i32
    %mul3A_577 = arith.muli %arg1, %mul3A_576 : i32
    %add3A_578 = arith.constant 512 : i32
    %add3A_579 = arith.addi %mul3A_577, %add3A_578 : i32
    %dma_wait3A_580 = arith.constant 0 : i32
    %dma_wait3A_581 = tpu.memref_slice %arg12[%add3A_579, %dma_wait3A_580] : memref<10000x128xf32, #tpu.memory_space<vmem_shared>> -> memref<16x128xf32, #tpu.memory_space<vmem_shared>>
    %dma_wait3A_582 = arith.constant 0 : i32
    %dma_wait3A_583 = tpu.memref_slice %arg12[%add3A_579, %dma_wait3A_582] : memref<10000x128xf32, #tpu.memory_space<vmem_shared>> -> memref<16x128xf32, #tpu.memory_space<vmem_shared>>
    tpu.wait_dma2 semaphore(%arg24 : memref<!tpu.dma_semaphore, #tpu.memory_space<semaphore_mem>>) src(%arg13 : memref<16x128xf32, #tpu.memory_space<vmem>>) dst(%dma_wait3A_583 : memref<16x128xf32, #tpu.memory_space<vmem_shared>>)
    %mul3A_584 = arith.constant 624 : i32
    %mul3A_585 = arith.muli %arg1, %mul3A_584 : i32
    %add3A_586 = arith.constant 528 : i32
    %add3A_587 = arith.addi %mul3A_585, %add3A_586 : i32
    %dma_wait3A_588 = arith.constant 0 : i32
    %dma_wait3A_589 = tpu.memref_slice %arg12[%add3A_587, %dma_wait3A_588] : memref<10000x128xf32, #tpu.memory_space<vmem_shared>> -> memref<16x128xf32, #tpu.memory_space<vmem_shared>>
    %dma_wait3A_590 = arith.constant 0 : i32
    %dma_wait3A_591 = tpu.memref_slice %arg12[%add3A_587, %dma_wait3A_590] : memref<10000x128xf32, #tpu.memory_space<vmem_shared>> -> memref<16x128xf32, #tpu.memory_space<vmem_shared>>
    tpu.wait_dma2 semaphore(%arg24 : memref<!tpu.dma_semaphore, #tpu.memory_space<semaphore_mem>>) src(%arg13 : memref<16x128xf32, #tpu.memory_space<vmem>>) dst(%dma_wait3A_591 : memref<16x128xf32, #tpu.memory_space<vmem_shared>>)
    %mul3A_592 = arith.constant 624 : i32
    %mul3A_593 = arith.muli %arg1, %mul3A_592 : i32
    %add3A_594 = arith.constant 544 : i32
    %add3A_595 = arith.addi %mul3A_593, %add3A_594 : i32
    %dma_wait3A_596 = arith.constant 0 : i32
    %dma_wait3A_597 = tpu.memref_slice %arg12[%add3A_595, %dma_wait3A_596] : memref<10000x128xf32, #tpu.memory_space<vmem_shared>> -> memref<16x128xf32, #tpu.memory_space<vmem_shared>>
    %dma_wait3A_598 = arith.constant 0 : i32
    %dma_wait3A_599 = tpu.memref_slice %arg12[%add3A_595, %dma_wait3A_598] : memref<10000x128xf32, #tpu.memory_space<vmem_shared>> -> memref<16x128xf32, #tpu.memory_space<vmem_shared>>
    tpu.wait_dma2 semaphore(%arg24 : memref<!tpu.dma_semaphore, #tpu.memory_space<semaphore_mem>>) src(%arg13 : memref<16x128xf32, #tpu.memory_space<vmem>>) dst(%dma_wait3A_599 : memref<16x128xf32, #tpu.memory_space<vmem_shared>>)
    %mul3A_600 = arith.constant 624 : i32
    %mul3A_601 = arith.muli %arg1, %mul3A_600 : i32
    %add3A_602 = arith.constant 560 : i32
    %add3A_603 = arith.addi %mul3A_601, %add3A_602 : i32
    %dma_wait3A_604 = arith.constant 0 : i32
    %dma_wait3A_605 = tpu.memref_slice %arg12[%add3A_603, %dma_wait3A_604] : memref<10000x128xf32, #tpu.memory_space<vmem_shared>> -> memref<16x128xf32, #tpu.memory_space<vmem_shared>>
    %dma_wait3A_606 = arith.constant 0 : i32
    %dma_wait3A_607 = tpu.memref_slice %arg12[%add3A_603, %dma_wait3A_606] : memref<10000x128xf32, #tpu.memory_space<vmem_shared>> -> memref<16x128xf32, #tpu.memory_space<vmem_shared>>
    tpu.wait_dma2 semaphore(%arg24 : memref<!tpu.dma_semaphore, #tpu.memory_space<semaphore_mem>>) src(%arg13 : memref<16x128xf32, #tpu.memory_space<vmem>>) dst(%dma_wait3A_607 : memref<16x128xf32, #tpu.memory_space<vmem_shared>>)
    %mul3A_608 = arith.constant 624 : i32
    %mul3A_609 = arith.muli %arg1, %mul3A_608 : i32
    %add3A_610 = arith.constant 576 : i32
    %add3A_611 = arith.addi %mul3A_609, %add3A_610 : i32
    %dma_wait3A_612 = arith.constant 0 : i32
    %dma_wait3A_613 = tpu.memref_slice %arg12[%add3A_611, %dma_wait3A_612] : memref<10000x128xf32, #tpu.memory_space<vmem_shared>> -> memref<16x128xf32, #tpu.memory_space<vmem_shared>>
    %dma_wait3A_614 = arith.constant 0 : i32
    %dma_wait3A_615 = tpu.memref_slice %arg12[%add3A_611, %dma_wait3A_614] : memref<10000x128xf32, #tpu.memory_space<vmem_shared>> -> memref<16x128xf32, #tpu.memory_space<vmem_shared>>
    tpu.wait_dma2 semaphore(%arg24 : memref<!tpu.dma_semaphore, #tpu.memory_space<semaphore_mem>>) src(%arg13 : memref<16x128xf32, #tpu.memory_space<vmem>>) dst(%dma_wait3A_615 : memref<16x128xf32, #tpu.memory_space<vmem_shared>>)
    %mul3A_616 = arith.constant 624 : i32
    %mul3A_617 = arith.muli %arg1, %mul3A_616 : i32
    %add3A_618 = arith.constant 592 : i32
    %add3A_619 = arith.addi %mul3A_617, %add3A_618 : i32
    %dma_wait3A_620 = arith.constant 0 : i32
    %dma_wait3A_621 = tpu.memref_slice %arg12[%add3A_619, %dma_wait3A_620] : memref<10000x128xf32, #tpu.memory_space<vmem_shared>> -> memref<16x128xf32, #tpu.memory_space<vmem_shared>>
    %dma_wait3A_622 = arith.constant 0 : i32
    %dma_wait3A_623 = tpu.memref_slice %arg12[%add3A_619, %dma_wait3A_622] : memref<10000x128xf32, #tpu.memory_space<vmem_shared>> -> memref<16x128xf32, #tpu.memory_space<vmem_shared>>
    tpu.wait_dma2 semaphore(%arg24 : memref<!tpu.dma_semaphore, #tpu.memory_space<semaphore_mem>>) src(%arg13 : memref<16x128xf32, #tpu.memory_space<vmem>>) dst(%dma_wait3A_623 : memref<16x128xf32, #tpu.memory_space<vmem_shared>>)
    %mul3A_624 = arith.constant 624 : i32
    %mul3A_625 = arith.muli %arg1, %mul3A_624 : i32
    %add3A_626 = arith.constant 608 : i32
    %add3A_627 = arith.addi %mul3A_625, %add3A_626 : i32
    %dma_wait3A_628 = arith.constant 0 : i32
    %dma_wait3A_629 = tpu.memref_slice %arg12[%add3A_627, %dma_wait3A_628] : memref<10000x128xf32, #tpu.memory_space<vmem_shared>> -> memref<16x128xf32, #tpu.memory_space<vmem_shared>>
    %dma_wait3A_630 = arith.constant 0 : i32
    %dma_wait3A_631 = tpu.memref_slice %arg12[%add3A_627, %dma_wait3A_630] : memref<10000x128xf32, #tpu.memory_space<vmem_shared>> -> memref<16x128xf32, #tpu.memory_space<vmem_shared>>
    tpu.wait_dma2 semaphore(%arg24 : memref<!tpu.dma_semaphore, #tpu.memory_space<semaphore_mem>>) src(%arg13 : memref<16x128xf32, #tpu.memory_space<vmem>>) dst(%dma_wait3A_631 : memref<16x128xf32, #tpu.memory_space<vmem_shared>>)
    %barrier3A = arith.constant 0 : index
    tpu.barrier barrier_id(%barrier3A)
    %scan3A_632 = arith.constant 0 : i32
    %scan3A_633 = arith.constant 0 : i32
    %scan3A_634 = arith.constant 5 : i32
    %scan3A_635 = arith.addi %scan3A_633, %scan3A_634 : i32
    %scan3A_636 = arith.constant 1 : i32
    %scan3A_637 = scf.for %scan3A_649 = %scan3A_633 to %scan3A_635 step %scan3A_636 iter_args(%scan3A_650 = %scan3A_632) -> (i32)  : i32 {
      %run_scoped3A = arith.constant 0 : i32
      "tpu.region"() ({
        %run_scoped3A_790 = tpu.sem_alloc : memref<!tpu.dma_semaphore, #tpu.memory_space<semaphore_mem>>
        %dma_start3A_791 = arith.constant 0 : i32
        %dma_start3A_792 = arith.constant 0 : i32
        %dma_start3A_793 = tpu.memref_slice %arg3[%run_scoped3A, %add3A, %scan3A_649, %dma_start3A_791, %dma_start3A_792] : memref<2x32x5x50x40xi32, #tpu.memory_space<hbm>> -> memref<1x1x1x50x40xi32, #tpu.memory_space<hbm>>
        %dma_start3A_794 = tpu.memref_squeeze %dma_start3A_793 : memref<1x1x1x50x40xi32, #tpu.memory_space<hbm>> -> memref<50x40xi32, #tpu.memory_space<hbm>>
        %dma_start3A_795 = arith.constant 0 : i32
        %dma_start3A_796 = arith.constant 0 : i32
        %dma_start3A_797 = tpu.memref_slice %arg3[%run_scoped3A, %add3A, %scan3A_649, %dma_start3A_795, %dma_start3A_796] : memref<2x32x5x50x40xi32, #tpu.memory_space<hbm>> -> memref<1x1x1x50x40xi32, #tpu.memory_space<hbm>>
        %dma_start3A_798 = tpu.memref_squeeze %dma_start3A_797 : memref<1x1x1x50x40xi32, #tpu.memory_space<hbm>> -> memref<50x40xi32, #tpu.memory_space<hbm>>
        tpu.enqueue_dma source(%dma_start3A_798 : memref<50x40xi32, #tpu.memory_space<hbm>>) target(%arg5 : memref<50x40xi32, #tpu.memory_space<vmem>>) target_semaphore(%run_scoped3A_790 : memref<!tpu.dma_semaphore, #tpu.memory_space<semaphore_mem>>)
        %dma_wait3A_799 = arith.constant 0 : i32
        %dma_wait3A_800 = arith.constant 0 : i32
        %dma_wait3A_801 = tpu.memref_slice %arg3[%run_scoped3A, %add3A, %scan3A_649, %dma_wait3A_799, %dma_wait3A_800] : memref<2x32x5x50x40xi32, #tpu.memory_space<hbm>> -> memref<1x1x1x50x40xi32, #tpu.memory_space<hbm>>
        %dma_wait3A_802 = tpu.memref_squeeze %dma_wait3A_801 : memref<1x1x1x50x40xi32, #tpu.memory_space<hbm>> -> memref<50x40xi32, #tpu.memory_space<hbm>>
        %dma_wait3A_803 = arith.constant 0 : i32
        %dma_wait3A_804 = arith.constant 0 : i32
        %dma_wait3A_805 = tpu.memref_slice %arg3[%run_scoped3A, %add3A, %scan3A_649, %dma_wait3A_803, %dma_wait3A_804] : memref<2x32x5x50x40xi32, #tpu.memory_space<hbm>> -> memref<1x1x1x50x40xi32, #tpu.memory_space<hbm>>
        %dma_wait3A_806 = tpu.memref_squeeze %dma_wait3A_805 : memref<1x1x1x50x40xi32, #tpu.memory_space<hbm>> -> memref<50x40xi32, #tpu.memory_space<hbm>>
        tpu.wait_dma2 semaphore(%run_scoped3A_790 : memref<!tpu.dma_semaphore, #tpu.memory_space<semaphore_mem>>) src(%dma_wait3A_806 : memref<50x40xi32, #tpu.memory_space<hbm>>) dst(%arg5 : memref<50x40xi32, #tpu.memory_space<vmem>>)
        tpu.yield
      }) : () -> ()
      %run_scoped3A_651 = arith.constant 1 : i32
      "tpu.region"() ({
        %run_scoped3A_790 = tpu.sem_alloc : memref<!tpu.dma_semaphore, #tpu.memory_space<semaphore_mem>>
        %dma_start3A_791 = arith.constant 0 : i32
        %dma_start3A_792 = arith.constant 0 : i32
        %dma_start3A_793 = tpu.memref_slice %arg3[%run_scoped3A_651, %add3A, %scan3A_649, %dma_start3A_791, %dma_start3A_792] : memref<2x32x5x50x40xi32, #tpu.memory_space<hbm>> -> memref<1x1x1x50x40xi32, #tpu.memory_space<hbm>>
        %dma_start3A_794 = tpu.memref_squeeze %dma_start3A_793 : memref<1x1x1x50x40xi32, #tpu.memory_space<hbm>> -> memref<50x40xi32, #tpu.memory_space<hbm>>
        %dma_start3A_795 = arith.constant 0 : i32
        %dma_start3A_796 = arith.constant 0 : i32
        %dma_start3A_797 = tpu.memref_slice %arg3[%run_scoped3A_651, %add3A, %scan3A_649, %dma_start3A_795, %dma_start3A_796] : memref<2x32x5x50x40xi32, #tpu.memory_space<hbm>> -> memref<1x1x1x50x40xi32, #tpu.memory_space<hbm>>
        %dma_start3A_798 = tpu.memref_squeeze %dma_start3A_797 : memref<1x1x1x50x40xi32, #tpu.memory_space<hbm>> -> memref<50x40xi32, #tpu.memory_space<hbm>>
        tpu.enqueue_dma source(%dma_start3A_798 : memref<50x40xi32, #tpu.memory_space<hbm>>) target(%arg6 : memref<50x40xi32, #tpu.memory_space<vmem>>) target_semaphore(%run_scoped3A_790 : memref<!tpu.dma_semaphore, #tpu.memory_space<semaphore_mem>>)
        %dma_wait3A_799 = arith.constant 0 : i32
        %dma_wait3A_800 = arith.constant 0 : i32
        %dma_wait3A_801 = tpu.memref_slice %arg3[%run_scoped3A_651, %add3A, %scan3A_649, %dma_wait3A_799, %dma_wait3A_800] : memref<2x32x5x50x40xi32, #tpu.memory_space<hbm>> -> memref<1x1x1x50x40xi32, #tpu.memory_space<hbm>>
        %dma_wait3A_802 = tpu.memref_squeeze %dma_wait3A_801 : memref<1x1x1x50x40xi32, #tpu.memory_space<hbm>> -> memref<50x40xi32, #tpu.memory_space<hbm>>
        %dma_wait3A_803 = arith.constant 0 : i32
        %dma_wait3A_804 = arith.constant 0 : i32
        %dma_wait3A_805 = tpu.memref_slice %arg3[%run_scoped3A_651, %add3A, %scan3A_649, %dma_wait3A_803, %dma_wait3A_804] : memref<2x32x5x50x40xi32, #tpu.memory_space<hbm>> -> memref<1x1x1x50x40xi32, #tpu.memory_space<hbm>>
        %dma_wait3A_806 = tpu.memref_squeeze %dma_wait3A_805 : memref<1x1x1x50x40xi32, #tpu.memory_space<hbm>> -> memref<50x40xi32, #tpu.memory_space<hbm>>
        tpu.wait_dma2 semaphore(%run_scoped3A_790 : memref<!tpu.dma_semaphore, #tpu.memory_space<semaphore_mem>>) src(%dma_wait3A_806 : memref<50x40xi32, #tpu.memory_space<hbm>>) dst(%arg6 : memref<50x40xi32, #tpu.memory_space<vmem>>)
        tpu.yield
      }) : () -> ()
      %dma_start3A_652 = arith.constant 0 : i32
      %dma_start3A_653 = arith.constant 0 : i32
      %dma_start3A_654 = tpu.memref_slice %arg5[%dma_start3A_652, %dma_start3A_653] : memref<50x40xi32, #tpu.memory_space<vmem>> -> memref<1x40xi32, #tpu.memory_space<vmem>>
      %dma_start3A_655 = tpu.memref_squeeze %dma_start3A_654 : memref<1x40xi32, #tpu.memory_space<vmem>> -> memref<40xi32, #tpu.memory_space<vmem>>
      %dma_start3A_656 = arith.constant 0 : i32
      %dma_start3A_657 = arith.constant 0 : i32
      %dma_start3A_658 = tpu.memref_slice %arg2[%dma_start3A_656, %dma_start3A_657] : memref<10000x128xf32, #tpu.memory_space<hbm>> -> memref<10000x128xf32, #tpu.memory_space<hbm>>
      tpu.enqueue_indirect_dma source(%dma_start3A_658 : memref<10000x128xf32, #tpu.memory_space<hbm>>) target(%arg7 : memref<40x128xf32, #tpu.memory_space<vmem>>) offsets(%dma_start3A_655 : memref<40xi32, #tpu.memory_space<vmem>>) semaphore(%arg14 : memref<!tpu.dma_semaphore, #tpu.memory_space<semaphore_mem>>)
      %dma_start3A_659 = arith.constant 1 : i32
      %dma_start3A_660 = arith.constant 0 : i32
      %dma_start3A_661 = tpu.memref_slice %arg5[%dma_start3A_659, %dma_start3A_660] : memref<50x40xi32, #tpu.memory_space<vmem>> -> memref<1x40xi32, #tpu.memory_space<vmem>>
      %dma_start3A_662 = tpu.memref_squeeze %dma_start3A_661 : memref<1x40xi32, #tpu.memory_space<vmem>> -> memref<40xi32, #tpu.memory_space<vmem>>
      %dma_start3A_663 = arith.constant 0 : i32
      %dma_start3A_664 = arith.constant 0 : i32
      %dma_start3A_665 = tpu.memref_slice %arg2[%dma_start3A_663, %dma_start3A_664] : memref<10000x128xf32, #tpu.memory_space<hbm>> -> memref<10000x128xf32, #tpu.memory_space<hbm>>
      tpu.enqueue_indirect_dma source(%dma_start3A_665 : memref<10000x128xf32, #tpu.memory_space<hbm>>) target(%arg8 : memref<40x128xf32, #tpu.memory_space<vmem>>) offsets(%dma_start3A_662 : memref<40xi32, #tpu.memory_space<vmem>>) semaphore(%arg15 : memref<!tpu.dma_semaphore, #tpu.memory_space<semaphore_mem>>)
      %dma_start3A_666 = arith.constant 2 : i32
      %dma_start3A_667 = arith.constant 0 : i32
      %dma_start3A_668 = tpu.memref_slice %arg5[%dma_start3A_666, %dma_start3A_667] : memref<50x40xi32, #tpu.memory_space<vmem>> -> memref<1x40xi32, #tpu.memory_space<vmem>>
      %dma_start3A_669 = tpu.memref_squeeze %dma_start3A_668 : memref<1x40xi32, #tpu.memory_space<vmem>> -> memref<40xi32, #tpu.memory_space<vmem>>
      %dma_start3A_670 = arith.constant 0 : i32
      %dma_start3A_671 = arith.constant 0 : i32
      %dma_start3A_672 = tpu.memref_slice %arg2[%dma_start3A_670, %dma_start3A_671] : memref<10000x128xf32, #tpu.memory_space<hbm>> -> memref<10000x128xf32, #tpu.memory_space<hbm>>
      tpu.enqueue_indirect_dma source(%dma_start3A_672 : memref<10000x128xf32, #tpu.memory_space<hbm>>) target(%arg9 : memref<40x128xf32, #tpu.memory_space<vmem>>) offsets(%dma_start3A_669 : memref<40xi32, #tpu.memory_space<vmem>>) semaphore(%arg16 : memref<!tpu.dma_semaphore, #tpu.memory_space<semaphore_mem>>)
      %dma_start3A_673 = arith.constant 3 : i32
      %dma_start3A_674 = arith.constant 0 : i32
      %dma_start3A_675 = tpu.memref_slice %arg5[%dma_start3A_673, %dma_start3A_674] : memref<50x40xi32, #tpu.memory_space<vmem>> -> memref<1x40xi32, #tpu.memory_space<vmem>>
      %dma_start3A_676 = tpu.memref_squeeze %dma_start3A_675 : memref<1x40xi32, #tpu.memory_space<vmem>> -> memref<40xi32, #tpu.memory_space<vmem>>
      %dma_start3A_677 = arith.constant 0 : i32
      %dma_start3A_678 = arith.constant 0 : i32
      %dma_start3A_679 = tpu.memref_slice %arg2[%dma_start3A_677, %dma_start3A_678] : memref<10000x128xf32, #tpu.memory_space<hbm>> -> memref<10000x128xf32, #tpu.memory_space<hbm>>
      tpu.enqueue_indirect_dma source(%dma_start3A_679 : memref<10000x128xf32, #tpu.memory_space<hbm>>) target(%arg10 : memref<40x128xf32, #tpu.memory_space<vmem>>) offsets(%dma_start3A_676 : memref<40xi32, #tpu.memory_space<vmem>>) semaphore(%arg17 : memref<!tpu.dma_semaphore, #tpu.memory_space<semaphore_mem>>)
      %dma_start3A_680 = arith.constant 4 : i32
      %dma_start3A_681 = arith.constant 0 : i32
      %dma_start3A_682 = tpu.memref_slice %arg5[%dma_start3A_680, %dma_start3A_681] : memref<50x40xi32, #tpu.memory_space<vmem>> -> memref<1x40xi32, #tpu.memory_space<vmem>>
      %dma_start3A_683 = tpu.memref_squeeze %dma_start3A_682 : memref<1x40xi32, #tpu.memory_space<vmem>> -> memref<40xi32, #tpu.memory_space<vmem>>
      %dma_start3A_684 = arith.constant 0 : i32
      %dma_start3A_685 = arith.constant 0 : i32
      %dma_start3A_686 = tpu.memref_slice %arg2[%dma_start3A_684, %dma_start3A_685] : memref<10000x128xf32, #tpu.memory_space<hbm>> -> memref<10000x128xf32, #tpu.memory_space<hbm>>
      tpu.enqueue_indirect_dma source(%dma_start3A_686 : memref<10000x128xf32, #tpu.memory_space<hbm>>) target(%arg11 : memref<40x128xf32, #tpu.memory_space<vmem>>) offsets(%dma_start3A_683 : memref<40xi32, #tpu.memory_space<vmem>>) semaphore(%arg18 : memref<!tpu.dma_semaphore, #tpu.memory_space<semaphore_mem>>)
      %scan3A_687 = arith.constant 0 : i32
      %scan3A_688 = arith.constant 0 : i32
      %scan3A_689 = arith.constant 9 : i32
      %scan3A_690 = arith.addi %scan3A_688, %scan3A_689 : i32
      %scan3A_691 = arith.constant 1 : i32
      %scan3A_692 = scf.for %scan3A_790 = %scan3A_688 to %scan3A_690 step %scan3A_691 iter_args(%scan3A_791 = %scan3A_687) -> (i32)  : i32 {
        %mul3A_792 = arith.constant 5 : i32
        %mul3A_793 = arith.muli %scan3A_790, %mul3A_792 : i32
        %dma_wait3A_794 = arith.constant 0 : i32
        %dma_wait3A_795 = arith.constant 0 : i32
        %dma_wait3A_796 = tpu.memref_slice %arg2[%dma_wait3A_794, %dma_wait3A_795] : memref<10000x128xf32, #tpu.memory_space<hbm>> -> memref<40x128xf32, #tpu.memory_space<hbm>>
        %dma_wait3A_797 = arith.constant 0 : i32
        %dma_wait3A_798 = arith.constant 0 : i32
        %dma_wait3A_799 = tpu.memref_slice %arg2[%dma_wait3A_797, %dma_wait3A_798] : memref<10000x128xf32, #tpu.memory_space<hbm>> -> memref<40x128xf32, #tpu.memory_space<hbm>>
        tpu.wait_dma2 semaphore(%arg14 : memref<!tpu.dma_semaphore, #tpu.memory_space<semaphore_mem>>) src(%dma_wait3A_799 : memref<40x128xf32, #tpu.memory_space<hbm>>) dst(%arg7 : memref<40x128xf32, #tpu.memory_space<vmem>>)
        %add3A_800 = arith.constant 0 : i32
        %add3A_801 = arith.addi %mul3A_793, %add3A_800 : i32
        %dma_start3A_802 = arith.constant 0 : i32
        %dma_start3A_803 = tpu.memref_slice %arg6[%add3A_801, %dma_start3A_802] : memref<50x40xi32, #tpu.memory_space<vmem>> -> memref<1x40xi32, #tpu.memory_space<vmem>>
        %dma_start3A_804 = tpu.memref_squeeze %dma_start3A_803 : memref<1x40xi32, #tpu.memory_space<vmem>> -> memref<40xi32, #tpu.memory_space<vmem>>
        %dma_start3A_805 = arith.constant 0 : i32
        %dma_start3A_806 = arith.constant 0 : i32
        %dma_start3A_807 = tpu.memref_slice %arg12[%dma_start3A_805, %dma_start3A_806] : memref<10000x128xf32, #tpu.memory_space<vmem_shared>> -> memref<10000x128xf32, #tpu.memory_space<vmem_shared>>
        tpu.enqueue_indirect_dma source(%arg7 : memref<40x128xf32, #tpu.memory_space<vmem>>) target(%dma_start3A_807 : memref<10000x128xf32, #tpu.memory_space<vmem_shared>>) offsets(%dma_start3A_804 : memref<40xi32, #tpu.memory_space<vmem>>) semaphore(%arg19 : memref<!tpu.dma_semaphore, #tpu.memory_space<semaphore_mem>>) {add = true}
        %dma_wait3A_808 = arith.constant 0 : i32
        %dma_wait3A_809 = arith.constant 0 : i32
        %dma_wait3A_810 = tpu.memref_slice %arg2[%dma_wait3A_808, %dma_wait3A_809] : memref<10000x128xf32, #tpu.memory_space<hbm>> -> memref<40x128xf32, #tpu.memory_space<hbm>>
        %dma_wait3A_811 = arith.constant 0 : i32
        %dma_wait3A_812 = arith.constant 0 : i32
        %dma_wait3A_813 = tpu.memref_slice %arg2[%dma_wait3A_811, %dma_wait3A_812] : memref<10000x128xf32, #tpu.memory_space<hbm>> -> memref<40x128xf32, #tpu.memory_space<hbm>>
        tpu.wait_dma2 semaphore(%arg15 : memref<!tpu.dma_semaphore, #tpu.memory_space<semaphore_mem>>) src(%dma_wait3A_813 : memref<40x128xf32, #tpu.memory_space<hbm>>) dst(%arg8 : memref<40x128xf32, #tpu.memory_space<vmem>>)
        %add3A_814 = arith.constant 1 : i32
        %add3A_815 = arith.addi %mul3A_793, %add3A_814 : i32
        %dma_start3A_816 = arith.constant 0 : i32
        %dma_start3A_817 = tpu.memref_slice %arg6[%add3A_815, %dma_start3A_816] : memref<50x40xi32, #tpu.memory_space<vmem>> -> memref<1x40xi32, #tpu.memory_space<vmem>>
        %dma_start3A_818 = tpu.memref_squeeze %dma_start3A_817 : memref<1x40xi32, #tpu.memory_space<vmem>> -> memref<40xi32, #tpu.memory_space<vmem>>
        %dma_start3A_819 = arith.constant 0 : i32
        %dma_start3A_820 = arith.constant 0 : i32
        %dma_start3A_821 = tpu.memref_slice %arg12[%dma_start3A_819, %dma_start3A_820] : memref<10000x128xf32, #tpu.memory_space<vmem_shared>> -> memref<10000x128xf32, #tpu.memory_space<vmem_shared>>
        tpu.enqueue_indirect_dma source(%arg8 : memref<40x128xf32, #tpu.memory_space<vmem>>) target(%dma_start3A_821 : memref<10000x128xf32, #tpu.memory_space<vmem_shared>>) offsets(%dma_start3A_818 : memref<40xi32, #tpu.memory_space<vmem>>) semaphore(%arg20 : memref<!tpu.dma_semaphore, #tpu.memory_space<semaphore_mem>>) {add = true}
        %dma_wait3A_822 = arith.constant 0 : i32
        %dma_wait3A_823 = arith.constant 0 : i32
        %dma_wait3A_824 = tpu.memref_slice %arg2[%dma_wait3A_822, %dma_wait3A_823] : memref<10000x128xf32, #tpu.memory_space<hbm>> -> memref<40x128xf32, #tpu.memory_space<hbm>>
        %dma_wait3A_825 = arith.constant 0 : i32
        %dma_wait3A_826 = arith.constant 0 : i32
        %dma_wait3A_827 = tpu.memref_slice %arg2[%dma_wait3A_825, %dma_wait3A_826] : memref<10000x128xf32, #tpu.memory_space<hbm>> -> memref<40x128xf32, #tpu.memory_space<hbm>>
        tpu.wait_dma2 semaphore(%arg16 : memref<!tpu.dma_semaphore, #tpu.memory_space<semaphore_mem>>) src(%dma_wait3A_827 : memref<40x128xf32, #tpu.memory_space<hbm>>) dst(%arg9 : memref<40x128xf32, #tpu.memory_space<vmem>>)
        %add3A_828 = arith.constant 2 : i32
        %add3A_829 = arith.addi %mul3A_793, %add3A_828 : i32
        %dma_start3A_830 = arith.constant 0 : i32
        %dma_start3A_831 = tpu.memref_slice %arg6[%add3A_829, %dma_start3A_830] : memref<50x40xi32, #tpu.memory_space<vmem>> -> memref<1x40xi32, #tpu.memory_space<vmem>>
        %dma_start3A_832 = tpu.memref_squeeze %dma_start3A_831 : memref<1x40xi32, #tpu.memory_space<vmem>> -> memref<40xi32, #tpu.memory_space<vmem>>
        %dma_start3A_833 = arith.constant 0 : i32
        %dma_start3A_834 = arith.constant 0 : i32
        %dma_start3A_835 = tpu.memref_slice %arg12[%dma_start3A_833, %dma_start3A_834] : memref<10000x128xf32, #tpu.memory_space<vmem_shared>> -> memref<10000x128xf32, #tpu.memory_space<vmem_shared>>
        tpu.enqueue_indirect_dma source(%arg9 : memref<40x128xf32, #tpu.memory_space<vmem>>) target(%dma_start3A_835 : memref<10000x128xf32, #tpu.memory_space<vmem_shared>>) offsets(%dma_start3A_832 : memref<40xi32, #tpu.memory_space<vmem>>) semaphore(%arg21 : memref<!tpu.dma_semaphore, #tpu.memory_space<semaphore_mem>>) {add = true}
        %dma_wait3A_836 = arith.constant 0 : i32
        %dma_wait3A_837 = arith.constant 0 : i32
        %dma_wait3A_838 = tpu.memref_slice %arg2[%dma_wait3A_836, %dma_wait3A_837] : memref<10000x128xf32, #tpu.memory_space<hbm>> -> memref<40x128xf32, #tpu.memory_space<hbm>>
        %dma_wait3A_839 = arith.constant 0 : i32
        %dma_wait3A_840 = arith.constant 0 : i32
        %dma_wait3A_841 = tpu.memref_slice %arg2[%dma_wait3A_839, %dma_wait3A_840] : memref<10000x128xf32, #tpu.memory_space<hbm>> -> memref<40x128xf32, #tpu.memory_space<hbm>>
        tpu.wait_dma2 semaphore(%arg17 : memref<!tpu.dma_semaphore, #tpu.memory_space<semaphore_mem>>) src(%dma_wait3A_841 : memref<40x128xf32, #tpu.memory_space<hbm>>) dst(%arg10 : memref<40x128xf32, #tpu.memory_space<vmem>>)
        %add3A_842 = arith.constant 3 : i32
        %add3A_843 = arith.addi %mul3A_793, %add3A_842 : i32
        %dma_start3A_844 = arith.constant 0 : i32
        %dma_start3A_845 = tpu.memref_slice %arg6[%add3A_843, %dma_start3A_844] : memref<50x40xi32, #tpu.memory_space<vmem>> -> memref<1x40xi32, #tpu.memory_space<vmem>>
        %dma_start3A_846 = tpu.memref_squeeze %dma_start3A_845 : memref<1x40xi32, #tpu.memory_space<vmem>> -> memref<40xi32, #tpu.memory_space<vmem>>
        %dma_start3A_847 = arith.constant 0 : i32
        %dma_start3A_848 = arith.constant 0 : i32
        %dma_start3A_849 = tpu.memref_slice %arg12[%dma_start3A_847, %dma_start3A_848] : memref<10000x128xf32, #tpu.memory_space<vmem_shared>> -> memref<10000x128xf32, #tpu.memory_space<vmem_shared>>
        tpu.enqueue_indirect_dma source(%arg10 : memref<40x128xf32, #tpu.memory_space<vmem>>) target(%dma_start3A_849 : memref<10000x128xf32, #tpu.memory_space<vmem_shared>>) offsets(%dma_start3A_846 : memref<40xi32, #tpu.memory_space<vmem>>) semaphore(%arg22 : memref<!tpu.dma_semaphore, #tpu.memory_space<semaphore_mem>>) {add = true}
        %dma_wait3A_850 = arith.constant 0 : i32
        %dma_wait3A_851 = arith.constant 0 : i32
        %dma_wait3A_852 = tpu.memref_slice %arg2[%dma_wait3A_850, %dma_wait3A_851] : memref<10000x128xf32, #tpu.memory_space<hbm>> -> memref<40x128xf32, #tpu.memory_space<hbm>>
        %dma_wait3A_853 = arith.constant 0 : i32
        %dma_wait3A_854 = arith.constant 0 : i32
        %dma_wait3A_855 = tpu.memref_slice %arg2[%dma_wait3A_853, %dma_wait3A_854] : memref<10000x128xf32, #tpu.memory_space<hbm>> -> memref<40x128xf32, #tpu.memory_space<hbm>>
        tpu.wait_dma2 semaphore(%arg18 : memref<!tpu.dma_semaphore, #tpu.memory_space<semaphore_mem>>) src(%dma_wait3A_855 : memref<40x128xf32, #tpu.memory_space<hbm>>) dst(%arg11 : memref<40x128xf32, #tpu.memory_space<vmem>>)
        %add3A_856 = arith.constant 4 : i32
        %add3A_857 = arith.addi %mul3A_793, %add3A_856 : i32
        %dma_start3A_858 = arith.constant 0 : i32
        %dma_start3A_859 = tpu.memref_slice %arg6[%add3A_857, %dma_start3A_858] : memref<50x40xi32, #tpu.memory_space<vmem>> -> memref<1x40xi32, #tpu.memory_space<vmem>>
        %dma_start3A_860 = tpu.memref_squeeze %dma_start3A_859 : memref<1x40xi32, #tpu.memory_space<vmem>> -> memref<40xi32, #tpu.memory_space<vmem>>
        %dma_start3A_861 = arith.constant 0 : i32
        %dma_start3A_862 = arith.constant 0 : i32
        %dma_start3A_863 = tpu.memref_slice %arg12[%dma_start3A_861, %dma_start3A_862] : memref<10000x128xf32, #tpu.memory_space<vmem_shared>> -> memref<10000x128xf32, #tpu.memory_space<vmem_shared>>
        tpu.enqueue_indirect_dma source(%arg11 : memref<40x128xf32, #tpu.memory_space<vmem>>) target(%dma_start3A_863 : memref<10000x128xf32, #tpu.memory_space<vmem_shared>>) offsets(%dma_start3A_860 : memref<40xi32, #tpu.memory_space<vmem>>) semaphore(%arg23 : memref<!tpu.dma_semaphore, #tpu.memory_space<semaphore_mem>>) {add = true}
        %dma_wait3A_864 = arith.constant 0 : i32
        %dma_wait3A_865 = arith.constant 0 : i32
        %dma_wait3A_866 = tpu.memref_slice %arg12[%dma_wait3A_864, %dma_wait3A_865] : memref<10000x128xf32, #tpu.memory_space<vmem_shared>> -> memref<40x128xf32, #tpu.memory_space<vmem_shared>>
        %dma_wait3A_867 = arith.constant 0 : i32
        %dma_wait3A_868 = arith.constant 0 : i32
        %dma_wait3A_869 = tpu.memref_slice %arg12[%dma_wait3A_867, %dma_wait3A_868] : memref<10000x128xf32, #tpu.memory_space<vmem_shared>> -> memref<40x128xf32, #tpu.memory_space<vmem_shared>>
        tpu.wait_dma2 semaphore(%arg19 : memref<!tpu.dma_semaphore, #tpu.memory_space<semaphore_mem>>) src(%arg7 : memref<40x128xf32, #tpu.memory_space<vmem>>) dst(%dma_wait3A_869 : memref<40x128xf32, #tpu.memory_space<vmem_shared>>)
        %add3A_870 = arith.constant 5 : i32
        %add3A_871 = arith.addi %mul3A_793, %add3A_870 : i32
        %add3A_872 = arith.constant 0 : i32
        %add3A_873 = arith.addi %add3A_871, %add3A_872 : i32
        %dma_start3A_874 = arith.constant 0 : i32
        %dma_start3A_875 = tpu.memref_slice %arg5[%add3A_873, %dma_start3A_874] : memref<50x40xi32, #tpu.memory_space<vmem>> -> memref<1x40xi32, #tpu.memory_space<vmem>>
        %dma_start3A_876 = tpu.memref_squeeze %dma_start3A_875 : memref<1x40xi32, #tpu.memory_space<vmem>> -> memref<40xi32, #tpu.memory_space<vmem>>
        %dma_start3A_877 = arith.constant 0 : i32
        %dma_start3A_878 = arith.constant 0 : i32
        %dma_start3A_879 = tpu.memref_slice %arg2[%dma_start3A_877, %dma_start3A_878] : memref<10000x128xf32, #tpu.memory_space<hbm>> -> memref<10000x128xf32, #tpu.memory_space<hbm>>
        tpu.enqueue_indirect_dma source(%dma_start3A_879 : memref<10000x128xf32, #tpu.memory_space<hbm>>) target(%arg7 : memref<40x128xf32, #tpu.memory_space<vmem>>) offsets(%dma_start3A_876 : memref<40xi32, #tpu.memory_space<vmem>>) semaphore(%arg14 : memref<!tpu.dma_semaphore, #tpu.memory_space<semaphore_mem>>)
        %dma_wait3A_880 = arith.constant 0 : i32
        %dma_wait3A_881 = arith.constant 0 : i32
        %dma_wait3A_882 = tpu.memref_slice %arg12[%dma_wait3A_880, %dma_wait3A_881] : memref<10000x128xf32, #tpu.memory_space<vmem_shared>> -> memref<40x128xf32, #tpu.memory_space<vmem_shared>>
        %dma_wait3A_883 = arith.constant 0 : i32
        %dma_wait3A_884 = arith.constant 0 : i32
        %dma_wait3A_885 = tpu.memref_slice %arg12[%dma_wait3A_883, %dma_wait3A_884] : memref<10000x128xf32, #tpu.memory_space<vmem_shared>> -> memref<40x128xf32, #tpu.memory_space<vmem_shared>>
        tpu.wait_dma2 semaphore(%arg20 : memref<!tpu.dma_semaphore, #tpu.memory_space<semaphore_mem>>) src(%arg8 : memref<40x128xf32, #tpu.memory_space<vmem>>) dst(%dma_wait3A_885 : memref<40x128xf32, #tpu.memory_space<vmem_shared>>)
        %add3A_886 = arith.constant 5 : i32
        %add3A_887 = arith.addi %mul3A_793, %add3A_886 : i32
        %add3A_888 = arith.constant 1 : i32
        %add3A_889 = arith.addi %add3A_887, %add3A_888 : i32
        %dma_start3A_890 = arith.constant 0 : i32
        %dma_start3A_891 = tpu.memref_slice %arg5[%add3A_889, %dma_start3A_890] : memref<50x40xi32, #tpu.memory_space<vmem>> -> memref<1x40xi32, #tpu.memory_space<vmem>>
        %dma_start3A_892 = tpu.memref_squeeze %dma_start3A_891 : memref<1x40xi32, #tpu.memory_space<vmem>> -> memref<40xi32, #tpu.memory_space<vmem>>
        %dma_start3A_893 = arith.constant 0 : i32
        %dma_start3A_894 = arith.constant 0 : i32
        %dma_start3A_895 = tpu.memref_slice %arg2[%dma_start3A_893, %dma_start3A_894] : memref<10000x128xf32, #tpu.memory_space<hbm>> -> memref<10000x128xf32, #tpu.memory_space<hbm>>
        tpu.enqueue_indirect_dma source(%dma_start3A_895 : memref<10000x128xf32, #tpu.memory_space<hbm>>) target(%arg8 : memref<40x128xf32, #tpu.memory_space<vmem>>) offsets(%dma_start3A_892 : memref<40xi32, #tpu.memory_space<vmem>>) semaphore(%arg15 : memref<!tpu.dma_semaphore, #tpu.memory_space<semaphore_mem>>)
        %dma_wait3A_896 = arith.constant 0 : i32
        %dma_wait3A_897 = arith.constant 0 : i32
        %dma_wait3A_898 = tpu.memref_slice %arg12[%dma_wait3A_896, %dma_wait3A_897] : memref<10000x128xf32, #tpu.memory_space<vmem_shared>> -> memref<40x128xf32, #tpu.memory_space<vmem_shared>>
        %dma_wait3A_899 = arith.constant 0 : i32
        %dma_wait3A_900 = arith.constant 0 : i32
        %dma_wait3A_901 = tpu.memref_slice %arg12[%dma_wait3A_899, %dma_wait3A_900] : memref<10000x128xf32, #tpu.memory_space<vmem_shared>> -> memref<40x128xf32, #tpu.memory_space<vmem_shared>>
        tpu.wait_dma2 semaphore(%arg21 : memref<!tpu.dma_semaphore, #tpu.memory_space<semaphore_mem>>) src(%arg9 : memref<40x128xf32, #tpu.memory_space<vmem>>) dst(%dma_wait3A_901 : memref<40x128xf32, #tpu.memory_space<vmem_shared>>)
        %add3A_902 = arith.constant 5 : i32
        %add3A_903 = arith.addi %mul3A_793, %add3A_902 : i32
        %add3A_904 = arith.constant 2 : i32
        %add3A_905 = arith.addi %add3A_903, %add3A_904 : i32
        %dma_start3A_906 = arith.constant 0 : i32
        %dma_start3A_907 = tpu.memref_slice %arg5[%add3A_905, %dma_start3A_906] : memref<50x40xi32, #tpu.memory_space<vmem>> -> memref<1x40xi32, #tpu.memory_space<vmem>>
        %dma_start3A_908 = tpu.memref_squeeze %dma_start3A_907 : memref<1x40xi32, #tpu.memory_space<vmem>> -> memref<40xi32, #tpu.memory_space<vmem>>
        %dma_start3A_909 = arith.constant 0 : i32
        %dma_start3A_910 = arith.constant 0 : i32
        %dma_start3A_911 = tpu.memref_slice %arg2[%dma_start3A_909, %dma_start3A_910] : memref<10000x128xf32, #tpu.memory_space<hbm>> -> memref<10000x128xf32, #tpu.memory_space<hbm>>
        tpu.enqueue_indirect_dma source(%dma_start3A_911 : memref<10000x128xf32, #tpu.memory_space<hbm>>) target(%arg9 : memref<40x128xf32, #tpu.memory_space<vmem>>) offsets(%dma_start3A_908 : memref<40xi32, #tpu.memory_space<vmem>>) semaphore(%arg16 : memref<!tpu.dma_semaphore, #tpu.memory_space<semaphore_mem>>)
        %dma_wait3A_912 = arith.constant 0 : i32
        %dma_wait3A_913 = arith.constant 0 : i32
        %dma_wait3A_914 = tpu.memref_slice %arg12[%dma_wait3A_912, %dma_wait3A_913] : memref<10000x128xf32, #tpu.memory_space<vmem_shared>> -> memref<40x128xf32, #tpu.memory_space<vmem_shared>>
        %dma_wait3A_915 = arith.constant 0 : i32
        %dma_wait3A_916 = arith.constant 0 : i32
        %dma_wait3A_917 = tpu.memref_slice %arg12[%dma_wait3A_915, %dma_wait3A_916] : memref<10000x128xf32, #tpu.memory_space<vmem_shared>> -> memref<40x128xf32, #tpu.memory_space<vmem_shared>>
        tpu.wait_dma2 semaphore(%arg22 : memref<!tpu.dma_semaphore, #tpu.memory_space<semaphore_mem>>) src(%arg10 : memref<40x128xf32, #tpu.memory_space<vmem>>) dst(%dma_wait3A_917 : memref<40x128xf32, #tpu.memory_space<vmem_shared>>)
        %add3A_918 = arith.constant 5 : i32
        %add3A_919 = arith.addi %mul3A_793, %add3A_918 : i32
        %add3A_920 = arith.constant 3 : i32
        %add3A_921 = arith.addi %add3A_919, %add3A_920 : i32
        %dma_start3A_922 = arith.constant 0 : i32
        %dma_start3A_923 = tpu.memref_slice %arg5[%add3A_921, %dma_start3A_922] : memref<50x40xi32, #tpu.memory_space<vmem>> -> memref<1x40xi32, #tpu.memory_space<vmem>>
        %dma_start3A_924 = tpu.memref_squeeze %dma_start3A_923 : memref<1x40xi32, #tpu.memory_space<vmem>> -> memref<40xi32, #tpu.memory_space<vmem>>
        %dma_start3A_925 = arith.constant 0 : i32
        %dma_start3A_926 = arith.constant 0 : i32
        %dma_start3A_927 = tpu.memref_slice %arg2[%dma_start3A_925, %dma_start3A_926] : memref<10000x128xf32, #tpu.memory_space<hbm>> -> memref<10000x128xf32, #tpu.memory_space<hbm>>
        tpu.enqueue_indirect_dma source(%dma_start3A_927 : memref<10000x128xf32, #tpu.memory_space<hbm>>) target(%arg10 : memref<40x128xf32, #tpu.memory_space<vmem>>) offsets(%dma_start3A_924 : memref<40xi32, #tpu.memory_space<vmem>>) semaphore(%arg17 : memref<!tpu.dma_semaphore, #tpu.memory_space<semaphore_mem>>)
        %dma_wait3A_928 = arith.constant 0 : i32
        %dma_wait3A_929 = arith.constant 0 : i32
        %dma_wait3A_930 = tpu.memref_slice %arg12[%dma_wait3A_928, %dma_wait3A_929] : memref<10000x128xf32, #tpu.memory_space<vmem_shared>> -> memref<40x128xf32, #tpu.memory_space<vmem_shared>>
        %dma_wait3A_931 = arith.constant 0 : i32
        %dma_wait3A_932 = arith.constant 0 : i32
        %dma_wait3A_933 = tpu.memref_slice %arg12[%dma_wait3A_931, %dma_wait3A_932] : memref<10000x128xf32, #tpu.memory_space<vmem_shared>> -> memref<40x128xf32, #tpu.memory_space<vmem_shared>>
        tpu.wait_dma2 semaphore(%arg23 : memref<!tpu.dma_semaphore, #tpu.memory_space<semaphore_mem>>) src(%arg11 : memref<40x128xf32, #tpu.memory_space<vmem>>) dst(%dma_wait3A_933 : memref<40x128xf32, #tpu.memory_space<vmem_shared>>)
        %add3A_934 = arith.constant 5 : i32
        %add3A_935 = arith.addi %mul3A_793, %add3A_934 : i32
        %add3A_936 = arith.constant 4 : i32
        %add3A_937 = arith.addi %add3A_935, %add3A_936 : i32
        %dma_start3A_938 = arith.constant 0 : i32
        %dma_start3A_939 = tpu.memref_slice %arg5[%add3A_937, %dma_start3A_938] : memref<50x40xi32, #tpu.memory_space<vmem>> -> memref<1x40xi32, #tpu.memory_space<vmem>>
        %dma_start3A_940 = tpu.memref_squeeze %dma_start3A_939 : memref<1x40xi32, #tpu.memory_space<vmem>> -> memref<40xi32, #tpu.memory_space<vmem>>
        %dma_start3A_941 = arith.constant 0 : i32
        %dma_start3A_942 = arith.constant 0 : i32
        %dma_start3A_943 = tpu.memref_slice %arg2[%dma_start3A_941, %dma_start3A_942] : memref<10000x128xf32, #tpu.memory_space<hbm>> -> memref<10000x128xf32, #tpu.memory_space<hbm>>
        tpu.enqueue_indirect_dma source(%dma_start3A_943 : memref<10000x128xf32, #tpu.memory_space<hbm>>) target(%arg11 : memref<40x128xf32, #tpu.memory_space<vmem>>) offsets(%dma_start3A_940 : memref<40xi32, #tpu.memory_space<vmem>>) semaphore(%arg18 : memref<!tpu.dma_semaphore, #tpu.memory_space<semaphore_mem>>)
        %scan3A_944 = arith.constant 0 : i32
        scf.yield %scan3A_944 : i32
      }
      %scan3A_693 = arith.constant 9 : i32
      %dma_wait3A_694 = arith.constant 0 : i32
      %dma_wait3A_695 = arith.constant 0 : i32
      %dma_wait3A_696 = tpu.memref_slice %arg2[%dma_wait3A_694, %dma_wait3A_695] : memref<10000x128xf32, #tpu.memory_space<hbm>> -> memref<40x128xf32, #tpu.memory_space<hbm>>
      %dma_wait3A_697 = arith.constant 0 : i32
      %dma_wait3A_698 = arith.constant 0 : i32
      %dma_wait3A_699 = tpu.memref_slice %arg2[%dma_wait3A_697, %dma_wait3A_698] : memref<10000x128xf32, #tpu.memory_space<hbm>> -> memref<40x128xf32, #tpu.memory_space<hbm>>
      tpu.wait_dma2 semaphore(%arg14 : memref<!tpu.dma_semaphore, #tpu.memory_space<semaphore_mem>>) src(%dma_wait3A_699 : memref<40x128xf32, #tpu.memory_space<hbm>>) dst(%arg7 : memref<40x128xf32, #tpu.memory_space<vmem>>)
      %dma_start3A_700 = arith.constant 45 : i32
      %dma_start3A_701 = arith.constant 0 : i32
      %dma_start3A_702 = tpu.memref_slice %arg6[%dma_start3A_700, %dma_start3A_701] : memref<50x40xi32, #tpu.memory_space<vmem>> -> memref<1x40xi32, #tpu.memory_space<vmem>>
      %dma_start3A_703 = tpu.memref_squeeze %dma_start3A_702 : memref<1x40xi32, #tpu.memory_space<vmem>> -> memref<40xi32, #tpu.memory_space<vmem>>
      %dma_start3A_704 = arith.constant 0 : i32
      %dma_start3A_705 = arith.constant 0 : i32
      %dma_start3A_706 = tpu.memref_slice %arg12[%dma_start3A_704, %dma_start3A_705] : memref<10000x128xf32, #tpu.memory_space<vmem_shared>> -> memref<10000x128xf32, #tpu.memory_space<vmem_shared>>
      tpu.enqueue_indirect_dma source(%arg7 : memref<40x128xf32, #tpu.memory_space<vmem>>) target(%dma_start3A_706 : memref<10000x128xf32, #tpu.memory_space<vmem_shared>>) offsets(%dma_start3A_703 : memref<40xi32, #tpu.memory_space<vmem>>) semaphore(%arg19 : memref<!tpu.dma_semaphore, #tpu.memory_space<semaphore_mem>>) {add = true}
      %dma_wait3A_707 = arith.constant 0 : i32
      %dma_wait3A_708 = arith.constant 0 : i32
      %dma_wait3A_709 = tpu.memref_slice %arg2[%dma_wait3A_707, %dma_wait3A_708] : memref<10000x128xf32, #tpu.memory_space<hbm>> -> memref<40x128xf32, #tpu.memory_space<hbm>>
      %dma_wait3A_710 = arith.constant 0 : i32
      %dma_wait3A_711 = arith.constant 0 : i32
      %dma_wait3A_712 = tpu.memref_slice %arg2[%dma_wait3A_710, %dma_wait3A_711] : memref<10000x128xf32, #tpu.memory_space<hbm>> -> memref<40x128xf32, #tpu.memory_space<hbm>>
      tpu.wait_dma2 semaphore(%arg15 : memref<!tpu.dma_semaphore, #tpu.memory_space<semaphore_mem>>) src(%dma_wait3A_712 : memref<40x128xf32, #tpu.memory_space<hbm>>) dst(%arg8 : memref<40x128xf32, #tpu.memory_space<vmem>>)
      %dma_start3A_713 = arith.constant 46 : i32
      %dma_start3A_714 = arith.constant 0 : i32
      %dma_start3A_715 = tpu.memref_slice %arg6[%dma_start3A_713, %dma_start3A_714] : memref<50x40xi32, #tpu.memory_space<vmem>> -> memref<1x40xi32, #tpu.memory_space<vmem>>
      %dma_start3A_716 = tpu.memref_squeeze %dma_start3A_715 : memref<1x40xi32, #tpu.memory_space<vmem>> -> memref<40xi32, #tpu.memory_space<vmem>>
      %dma_start3A_717 = arith.constant 0 : i32
      %dma_start3A_718 = arith.constant 0 : i32
      %dma_start3A_719 = tpu.memref_slice %arg12[%dma_start3A_717, %dma_start3A_718] : memref<10000x128xf32, #tpu.memory_space<vmem_shared>> -> memref<10000x128xf32, #tpu.memory_space<vmem_shared>>
      tpu.enqueue_indirect_dma source(%arg8 : memref<40x128xf32, #tpu.memory_space<vmem>>) target(%dma_start3A_719 : memref<10000x128xf32, #tpu.memory_space<vmem_shared>>) offsets(%dma_start3A_716 : memref<40xi32, #tpu.memory_space<vmem>>) semaphore(%arg20 : memref<!tpu.dma_semaphore, #tpu.memory_space<semaphore_mem>>) {add = true}
      %dma_wait3A_720 = arith.constant 0 : i32
      %dma_wait3A_721 = arith.constant 0 : i32
      %dma_wait3A_722 = tpu.memref_slice %arg2[%dma_wait3A_720, %dma_wait3A_721] : memref<10000x128xf32, #tpu.memory_space<hbm>> -> memref<40x128xf32, #tpu.memory_space<hbm>>
      %dma_wait3A_723 = arith.constant 0 : i32
      %dma_wait3A_724 = arith.constant 0 : i32
      %dma_wait3A_725 = tpu.memref_slice %arg2[%dma_wait3A_723, %dma_wait3A_724] : memref<10000x128xf32, #tpu.memory_space<hbm>> -> memref<40x128xf32, #tpu.memory_space<hbm>>
      tpu.wait_dma2 semaphore(%arg16 : memref<!tpu.dma_semaphore, #tpu.memory_space<semaphore_mem>>) src(%dma_wait3A_725 : memref<40x128xf32, #tpu.memory_space<hbm>>) dst(%arg9 : memref<40x128xf32, #tpu.memory_space<vmem>>)
      %dma_start3A_726 = arith.constant 47 : i32
      %dma_start3A_727 = arith.constant 0 : i32
      %dma_start3A_728 = tpu.memref_slice %arg6[%dma_start3A_726, %dma_start3A_727] : memref<50x40xi32, #tpu.memory_space<vmem>> -> memref<1x40xi32, #tpu.memory_space<vmem>>
      %dma_start3A_729 = tpu.memref_squeeze %dma_start3A_728 : memref<1x40xi32, #tpu.memory_space<vmem>> -> memref<40xi32, #tpu.memory_space<vmem>>
      %dma_start3A_730 = arith.constant 0 : i32
      %dma_start3A_731 = arith.constant 0 : i32
      %dma_start3A_732 = tpu.memref_slice %arg12[%dma_start3A_730, %dma_start3A_731] : memref<10000x128xf32, #tpu.memory_space<vmem_shared>> -> memref<10000x128xf32, #tpu.memory_space<vmem_shared>>
      tpu.enqueue_indirect_dma source(%arg9 : memref<40x128xf32, #tpu.memory_space<vmem>>) target(%dma_start3A_732 : memref<10000x128xf32, #tpu.memory_space<vmem_shared>>) offsets(%dma_start3A_729 : memref<40xi32, #tpu.memory_space<vmem>>) semaphore(%arg21 : memref<!tpu.dma_semaphore, #tpu.memory_space<semaphore_mem>>) {add = true}
      %dma_wait3A_733 = arith.constant 0 : i32
      %dma_wait3A_734 = arith.constant 0 : i32
      %dma_wait3A_735 = tpu.memref_slice %arg2[%dma_wait3A_733, %dma_wait3A_734] : memref<10000x128xf32, #tpu.memory_space<hbm>> -> memref<40x128xf32, #tpu.memory_space<hbm>>
      %dma_wait3A_736 = arith.constant 0 : i32
      %dma_wait3A_737 = arith.constant 0 : i32
      %dma_wait3A_738 = tpu.memref_slice %arg2[%dma_wait3A_736, %dma_wait3A_737] : memref<10000x128xf32, #tpu.memory_space<hbm>> -> memref<40x128xf32, #tpu.memory_space<hbm>>
      tpu.wait_dma2 semaphore(%arg17 : memref<!tpu.dma_semaphore, #tpu.memory_space<semaphore_mem>>) src(%dma_wait3A_738 : memref<40x128xf32, #tpu.memory_space<hbm>>) dst(%arg10 : memref<40x128xf32, #tpu.memory_space<vmem>>)
      %dma_start3A_739 = arith.constant 48 : i32
      %dma_start3A_740 = arith.constant 0 : i32
      %dma_start3A_741 = tpu.memref_slice %arg6[%dma_start3A_739, %dma_start3A_740] : memref<50x40xi32, #tpu.memory_space<vmem>> -> memref<1x40xi32, #tpu.memory_space<vmem>>
      %dma_start3A_742 = tpu.memref_squeeze %dma_start3A_741 : memref<1x40xi32, #tpu.memory_space<vmem>> -> memref<40xi32, #tpu.memory_space<vmem>>
      %dma_start3A_743 = arith.constant 0 : i32
      %dma_start3A_744 = arith.constant 0 : i32
      %dma_start3A_745 = tpu.memref_slice %arg12[%dma_start3A_743, %dma_start3A_744] : memref<10000x128xf32, #tpu.memory_space<vmem_shared>> -> memref<10000x128xf32, #tpu.memory_space<vmem_shared>>
      tpu.enqueue_indirect_dma source(%arg10 : memref<40x128xf32, #tpu.memory_space<vmem>>) target(%dma_start3A_745 : memref<10000x128xf32, #tpu.memory_space<vmem_shared>>) offsets(%dma_start3A_742 : memref<40xi32, #tpu.memory_space<vmem>>) semaphore(%arg22 : memref<!tpu.dma_semaphore, #tpu.memory_space<semaphore_mem>>) {add = true}
      %dma_wait3A_746 = arith.constant 0 : i32
      %dma_wait3A_747 = arith.constant 0 : i32
      %dma_wait3A_748 = tpu.memref_slice %arg2[%dma_wait3A_746, %dma_wait3A_747] : memref<10000x128xf32, #tpu.memory_space<hbm>> -> memref<40x128xf32, #tpu.memory_space<hbm>>
      %dma_wait3A_749 = arith.constant 0 : i32
      %dma_wait3A_750 = arith.constant 0 : i32
      %dma_wait3A_751 = tpu.memref_slice %arg2[%dma_wait3A_749, %dma_wait3A_750] : memref<10000x128xf32, #tpu.memory_space<hbm>> -> memref<40x128xf32, #tpu.memory_space<hbm>>
      tpu.wait_dma2 semaphore(%arg18 : memref<!tpu.dma_semaphore, #tpu.memory_space<semaphore_mem>>) src(%dma_wait3A_751 : memref<40x128xf32, #tpu.memory_space<hbm>>) dst(%arg11 : memref<40x128xf32, #tpu.memory_space<vmem>>)
      %dma_start3A_752 = arith.constant 49 : i32
      %dma_start3A_753 = arith.constant 0 : i32
      %dma_start3A_754 = tpu.memref_slice %arg6[%dma_start3A_752, %dma_start3A_753] : memref<50x40xi32, #tpu.memory_space<vmem>> -> memref<1x40xi32, #tpu.memory_space<vmem>>
      %dma_start3A_755 = tpu.memref_squeeze %dma_start3A_754 : memref<1x40xi32, #tpu.memory_space<vmem>> -> memref<40xi32, #tpu.memory_space<vmem>>
      %dma_start3A_756 = arith.constant 0 : i32
      %dma_start3A_757 = arith.constant 0 : i32
      %dma_start3A_758 = tpu.memref_slice %arg12[%dma_start3A_756, %dma_start3A_757] : memref<10000x128xf32, #tpu.memory_space<vmem_shared>> -> memref<10000x128xf32, #tpu.memory_space<vmem_shared>>
      tpu.enqueue_indirect_dma source(%arg11 : memref<40x128xf32, #tpu.memory_space<vmem>>) target(%dma_start3A_758 : memref<10000x128xf32, #tpu.memory_space<vmem_shared>>) offsets(%dma_start3A_755 : memref<40xi32, #tpu.memory_space<vmem>>) semaphore(%arg23 : memref<!tpu.dma_semaphore, #tpu.memory_space<semaphore_mem>>) {add = true}
      %dma_wait3A_759 = arith.constant 0 : i32
      %dma_wait3A_760 = arith.constant 0 : i32
      %dma_wait3A_761 = tpu.memref_slice %arg12[%dma_wait3A_759, %dma_wait3A_760] : memref<10000x128xf32, #tpu.memory_space<vmem_shared>> -> memref<40x128xf32, #tpu.memory_space<vmem_shared>>
      %dma_wait3A_762 = arith.constant 0 : i32
      %dma_wait3A_763 = arith.constant 0 : i32
      %dma_wait3A_764 = tpu.memref_slice %arg12[%dma_wait3A_762, %dma_wait3A_763] : memref<10000x128xf32, #tpu.memory_space<vmem_shared>> -> memref<40x128xf32, #tpu.memory_space<vmem_shared>>
      tpu.wait_dma2 semaphore(%arg19 : memref<!tpu.dma_semaphore, #tpu.memory_space<semaphore_mem>>) src(%arg7 : memref<40x128xf32, #tpu.memory_space<vmem>>) dst(%dma_wait3A_764 : memref<40x128xf32, #tpu.memory_space<vmem_shared>>)
      %dma_wait3A_765 = arith.constant 0 : i32
      %dma_wait3A_766 = arith.constant 0 : i32
      %dma_wait3A_767 = tpu.memref_slice %arg12[%dma_wait3A_765, %dma_wait3A_766] : memref<10000x128xf32, #tpu.memory_space<vmem_shared>> -> memref<40x128xf32, #tpu.memory_space<vmem_shared>>
      %dma_wait3A_768 = arith.constant 0 : i32
      %dma_wait3A_769 = arith.constant 0 : i32
      %dma_wait3A_770 = tpu.memref_slice %arg12[%dma_wait3A_768, %dma_wait3A_769] : memref<10000x128xf32, #tpu.memory_space<vmem_shared>> -> memref<40x128xf32, #tpu.memory_space<vmem_shared>>
      tpu.wait_dma2 semaphore(%arg20 : memref<!tpu.dma_semaphore, #tpu.memory_space<semaphore_mem>>) src(%arg8 : memref<40x128xf32, #tpu.memory_space<vmem>>) dst(%dma_wait3A_770 : memref<40x128xf32, #tpu.memory_space<vmem_shared>>)
      %dma_wait3A_771 = arith.constant 0 : i32
      %dma_wait3A_772 = arith.constant 0 : i32
      %dma_wait3A_773 = tpu.memref_slice %arg12[%dma_wait3A_771, %dma_wait3A_772] : memref<10000x128xf32, #tpu.memory_space<vmem_shared>> -> memref<40x128xf32, #tpu.memory_space<vmem_shared>>
      %dma_wait3A_774 = arith.constant 0 : i32
      %dma_wait3A_775 = arith.constant 0 : i32
      %dma_wait3A_776 = tpu.memref_slice %arg12[%dma_wait3A_774, %dma_wait3A_775] : memref<10000x128xf32, #tpu.memory_space<vmem_shared>> -> memref<40x128xf32, #tpu.memory_space<vmem_shared>>
      tpu.wait_dma2 semaphore(%arg21 : memref<!tpu.dma_semaphore, #tpu.memory_space<semaphore_mem>>) src(%arg9 : memref<40x128xf32, #tpu.memory_space<vmem>>) dst(%dma_wait3A_776 : memref<40x128xf32, #tpu.memory_space<vmem_shared>>)
      %dma_wait3A_777 = arith.constant 0 : i32
      %dma_wait3A_778 = arith.constant 0 : i32
      %dma_wait3A_779 = tpu.memref_slice %arg12[%dma_wait3A_777, %dma_wait3A_778] : memref<10000x128xf32, #tpu.memory_space<vmem_shared>> -> memref<40x128xf32, #tpu.memory_space<vmem_shared>>
      %dma_wait3A_780 = arith.constant 0 : i32
      %dma_wait3A_781 = arith.constant 0 : i32
      %dma_wait3A_782 = tpu.memref_slice %arg12[%dma_wait3A_780, %dma_wait3A_781] : memref<10000x128xf32, #tpu.memory_space<vmem_shared>> -> memref<40x128xf32, #tpu.memory_space<vmem_shared>>
      tpu.wait_dma2 semaphore(%arg22 : memref<!tpu.dma_semaphore, #tpu.memory_space<semaphore_mem>>) src(%arg10 : memref<40x128xf32, #tpu.memory_space<vmem>>) dst(%dma_wait3A_782 : memref<40x128xf32, #tpu.memory_space<vmem_shared>>)
      %dma_wait3A_783 = arith.constant 0 : i32
      %dma_wait3A_784 = arith.constant 0 : i32
      %dma_wait3A_785 = tpu.memref_slice %arg12[%dma_wait3A_783, %dma_wait3A_784] : memref<10000x128xf32, #tpu.memory_space<vmem_shared>> -> memref<40x128xf32, #tpu.memory_space<vmem_shared>>
      %dma_wait3A_786 = arith.constant 0 : i32
      %dma_wait3A_787 = arith.constant 0 : i32
      %dma_wait3A_788 = tpu.memref_slice %arg12[%dma_wait3A_786, %dma_wait3A_787] : memref<10000x128xf32, #tpu.memory_space<vmem_shared>> -> memref<40x128xf32, #tpu.memory_space<vmem_shared>>
      tpu.wait_dma2 semaphore(%arg23 : memref<!tpu.dma_semaphore, #tpu.memory_space<semaphore_mem>>) src(%arg11 : memref<40x128xf32, #tpu.memory_space<vmem>>) dst(%dma_wait3A_788 : memref<40x128xf32, #tpu.memory_space<vmem_shared>>)
      %scan3A_789 = arith.constant 0 : i32
      scf.yield %scan3A_789 : i32
    }
    %scan3A_638 = arith.constant 5 : i32
    %barrier3A_639 = arith.constant 0 : index
    tpu.barrier barrier_id(%barrier3A_639)
    %mul3A_640 = arith.constant 624 : i32
    %mul3A_641 = arith.muli %arg1, %mul3A_640 : i32
    %mul3A_642 = arith.constant 624 : i32
    %mul3A_643 = arith.muli %arg1, %mul3A_642 : i32
    "tpu.region"() ({
      %run_scoped3A = tpu.sem_alloc : memref<!tpu.dma_semaphore, #tpu.memory_space<semaphore_mem>>
      %dma_start3A_649 = arith.constant 0 : i32
      %dma_start3A_650 = tpu.memref_slice %arg4[%arg0, %mul3A_643, %dma_start3A_649] : memref<2x10000x128xf32, #tpu.memory_space<hbm>> -> memref<1x624x128xf32, #tpu.memory_space<hbm>>
      %dma_start3A_651 = tpu.memref_squeeze %dma_start3A_650 : memref<1x624x128xf32, #tpu.memory_space<hbm>> -> memref<624x128xf32, #tpu.memory_space<hbm>>
      %dma_start3A_652 = arith.constant 0 : i32
      %dma_start3A_653 = tpu.memref_slice %arg12[%mul3A_641, %dma_start3A_652] : memref<10000x128xf32, #tpu.memory_space<vmem_shared>> -> memref<624x128xf32, #tpu.memory_space<vmem_shared>>
      tpu.enqueue_dma source(%dma_start3A_653 : memref<624x128xf32, #tpu.memory_space<vmem_shared>>) target(%dma_start3A_651 : memref<624x128xf32, #tpu.memory_space<hbm>>) target_semaphore(%run_scoped3A : memref<!tpu.dma_semaphore, #tpu.memory_space<semaphore_mem>>)
      %dma_wait3A_654 = arith.constant 0 : i32
      %dma_wait3A_655 = tpu.memref_slice %arg4[%arg0, %mul3A_643, %dma_wait3A_654] : memref<2x10000x128xf32, #tpu.memory_space<hbm>> -> memref<1x624x128xf32, #tpu.memory_space<hbm>>
      %dma_wait3A_656 = tpu.memref_squeeze %dma_wait3A_655 : memref<1x624x128xf32, #tpu.memory_space<hbm>> -> memref<624x128xf32, #tpu.memory_space<hbm>>
      %dma_wait3A_657 = arith.constant 0 : i32
      %dma_wait3A_658 = tpu.memref_slice %arg12[%mul3A_641, %dma_wait3A_657] : memref<10000x128xf32, #tpu.memory_space<vmem_shared>> -> memref<624x128xf32, #tpu.memory_space<vmem_shared>>
      tpu.wait_dma2 semaphore(%run_scoped3A : memref<!tpu.dma_semaphore, #tpu.memory_space<semaphore_mem>>) src(%dma_wait3A_658 : memref<624x128xf32, #tpu.memory_space<vmem_shared>>) dst(%dma_wait3A_656 : memref<624x128xf32, #tpu.memory_space<hbm>>)
      tpu.yield
    }) : () -> ()
    %eq3A_644 = arith.constant 0 : i32
    %eq3A_645 = arith.cmpi eq, %arg1, %eq3A_644 : i32
    %convert_element_type3A_646 = arith.extui %eq3A_645 : i1 to i32
    %cond3A_647 = arith.constant 0 : i32
    %cond3A_648 = arith.cmpi ne, %convert_element_type3A_646, %cond3A_647 : i32
    scf.if %cond3A_648 {
      "tpu.region"() ({
        %run_scoped3A = tpu.sem_alloc : memref<!tpu.dma_semaphore, #tpu.memory_space<semaphore_mem>>
        %dma_start3A_649 = arith.constant 9984 : i32
        %dma_start3A_650 = arith.constant 0 : i32
        %dma_start3A_651 = tpu.memref_slice %arg4[%arg0, %dma_start3A_649, %dma_start3A_650] : memref<2x10000x128xf32, #tpu.memory_space<hbm>> -> memref<1x16x128xf32, #tpu.memory_space<hbm>>
        %dma_start3A_652 = tpu.memref_squeeze %dma_start3A_651 : memref<1x16x128xf32, #tpu.memory_space<hbm>> -> memref<16x128xf32, #tpu.memory_space<hbm>>
        %dma_start3A_653 = arith.constant 9984 : i32
        %dma_start3A_654 = arith.constant 0 : i32
        %dma_start3A_655 = tpu.memref_slice %arg12[%dma_start3A_653, %dma_start3A_654] : memref<10000x128xf32, #tpu.memory_space<vmem_shared>> -> memref<16x128xf32, #tpu.memory_space<vmem_shared>>
        tpu.enqueue_dma source(%dma_start3A_655 : memref<16x128xf32, #tpu.memory_space<vmem_shared>>) target(%dma_start3A_652 : memref<16x128xf32, #tpu.memory_space<hbm>>) target_semaphore(%run_scoped3A : memref<!tpu.dma_semaphore, #tpu.memory_space<semaphore_mem>>)
        %dma_wait3A_656 = arith.constant 9984 : i32
        %dma_wait3A_657 = arith.constant 0 : i32
        %dma_wait3A_658 = tpu.memref_slice %arg4[%arg0, %dma_wait3A_656, %dma_wait3A_657] : memref<2x10000x128xf32, #tpu.memory_space<hbm>> -> memref<1x16x128xf32, #tpu.memory_space<hbm>>
        %dma_wait3A_659 = tpu.memref_squeeze %dma_wait3A_658 : memref<1x16x128xf32, #tpu.memory_space<hbm>> -> memref<16x128xf32, #tpu.memory_space<hbm>>
        %dma_wait3A_660 = arith.constant 9984 : i32
        %dma_wait3A_661 = arith.constant 0 : i32
        %dma_wait3A_662 = tpu.memref_slice %arg12[%dma_wait3A_660, %dma_wait3A_661] : memref<10000x128xf32, #tpu.memory_space<vmem_shared>> -> memref<16x128xf32, #tpu.memory_space<vmem_shared>>
        tpu.wait_dma2 semaphore(%run_scoped3A : memref<!tpu.dma_semaphore, #tpu.memory_space<semaphore_mem>>) src(%dma_wait3A_662 : memref<16x128xf32, #tpu.memory_space<vmem_shared>>) dst(%dma_wait3A_659 : memref<16x128xf32, #tpu.memory_space<hbm>>)
        tpu.yield
      }) : () -> ()
    } else {
    }
    return
  }
}

module attributes {stable_mosaic.version = 14 : i64} {
  func.func @body(%arg0: i32, %arg1: memref<2000x128xf32, #tpu.memory_space<vmem>>, %arg2: memref<128x128xf32, #tpu.memory_space<vmem>>, %arg3: memref<1x128xf32, #tpu.memory_space<vmem>>, %arg4: memref<2000x128xf32, #tpu.memory_space<vmem>>) attributes {dimension_semantics = [#tpu.dimension_semantics<arbitrary>], iteration_bounds = array<i64: 5>, scalar_prefetch = 0 : i64, scratch_operands = 0 : i64, tpu.core_type = #tpu.core_type<tc>, window_params = [{transform_indices = @transform_0, window_bounds = array<i64: 2000, 128>}, {pipeline_mode = #tpu.pipeline_mode<synchronous>, transform_indices = @transform_1, window_bounds = array<i64: 128, 128>}, {pipeline_mode = #tpu.pipeline_mode<synchronous>, transform_indices = @transform_2, window_bounds = array<i64: 1, 128>}, {transform_indices = @transform_3, window_bounds = array<i64: 2000, 128>}]} {
    %get3A = arith.constant 0 : index
    %get3A_0 = arith.constant 0 : index
    %get3A_1 = vector.load %arg1[%get3A, %get3A_0] : memref<2000x128xf32, #tpu.memory_space<vmem>>, vector<2000x128xf32>
    %get3A_2 = arith.constant 0 : index
    %get3A_3 = arith.constant 0 : index
    %get3A_4 = vector.load %arg2[%get3A_2, %get3A_3] : memref<128x128xf32, #tpu.memory_space<vmem>>, vector<128x128xf32>
    %dot_general3A = arith.constant dense<0.000000e+00> : vector<2000x128xf32>
    %dot_general3A_5 = tpu.matmul %get3A_1, %get3A_4, %dot_general3A {dimension_numbers = #tpu.dot_dimension_numbers<[1], [0], [0], [1], [0, 0, 1, 1], [], []>, transpose_lhs_hint = false} : vector<2000x128xf32>, vector<128x128xf32>, vector<2000x128xf32> -> vector<2000x128xf32>
    %get3A_6 = arith.constant 0 : index
    %get3A_7 = arith.constant 0 : index
    %get3A_8 = vector.load %arg3[%get3A_6, %get3A_7] : memref<1x128xf32, #tpu.memory_space<vmem>>, vector<1x128xf32>
    %add3A = vector.broadcast %get3A_8 : vector<1x128xf32> to vector<2000x128xf32>
    %add3A_9 = arith.addf %dot_general3A_5, %add3A : vector<2000x128xf32>
    %swap3A = arith.constant 0 : index
    %swap3A_10 = arith.constant 0 : index
    %swap3A_11 = vector.load %arg4[%swap3A, %swap3A_10] : memref<2000x128xf32, #tpu.memory_space<vmem>>, vector<2000x128xf32>
    tpu.vector_store %arg4[%swap3A, %swap3A_10], %add3A_9 {strides = array<i32>} : memref<2000x128xf32, #tpu.memory_space<vmem>>, vector<2000x128xf32>,
    return
  }
  func.func @transform_0(%arg0: i32) -> (i32, i32) {
    %c0_i32 = arith.constant 0 : i32
    %c0_i32_0 = arith.constant 0 : i32
    return %arg0, %c0_i32 : i32, i32
  }
  func.func @transform_1(%arg0: i32) -> (i32, i32) {
    %c0_i32 = arith.constant 0 : i32
    %c0_i32_0 = arith.constant 0 : i32
    %c0_i32_1 = arith.constant 0 : i32
    return %c0_i32, %c0_i32_0 : i32, i32
  }
  func.func @transform_2(%arg0: i32) -> (i32, i32) {
    %c0_i32 = arith.constant 0 : i32
    %c0_i32_0 = arith.constant 0 : i32
    %c0_i32_1 = arith.constant 0 : i32
    return %c0_i32, %c0_i32_0 : i32, i32
  }
  func.func @transform_3(%arg0: i32) -> (i32, i32) {
    %c0_i32 = arith.constant 0 : i32
    %c0_i32_0 = arith.constant 0 : i32
    return %arg0, %c0_i32 : i32, i32
  }
}

module attributes {stable_mosaic.version = 14 : i64} {
  func.func @body(%arg0: i32, %arg1: memref<2x2000x128xf32, #tpu.memory_space<vmem>>, %arg2: memref<2000x128xf32, #tpu.memory_space<vmem>>, %arg3: memref<128x128xf32, #tpu.memory_space<vmem>>, %arg4: memref<128x256xf32, #tpu.memory_space<vmem>>, %arg5: memref<1x256xf32, #tpu.memory_space<vmem>>, %arg6: memref<256x128xf32, #tpu.memory_space<vmem>>, %arg7: memref<1x128xf32, #tpu.memory_space<vmem>>, %arg8: memref<2000x128xf32, #tpu.memory_space<vmem>>) attributes {dimension_semantics = [#tpu.dimension_semantics<arbitrary>], iteration_bounds = array<i64: 5>, scalar_prefetch = 0 : i64, scratch_operands = 0 : i64, tpu.core_type = #tpu.core_type<tc>, window_params = [{transform_indices = @transform_0, window_bounds = array<i64: 2, 2000, 128>}, {transform_indices = @transform_1, window_bounds = array<i64: 2000, 128>}, {pipeline_mode = #tpu.pipeline_mode<synchronous>, transform_indices = @transform_2, window_bounds = array<i64: 128, 128>}, {pipeline_mode = #tpu.pipeline_mode<synchronous>, transform_indices = @transform_3, window_bounds = array<i64: 128, 256>}, {pipeline_mode = #tpu.pipeline_mode<synchronous>, transform_indices = @transform_4, window_bounds = array<i64: 1, 256>}, {pipeline_mode = #tpu.pipeline_mode<synchronous>, transform_indices = @transform_5, window_bounds = array<i64: 256, 128>}, {pipeline_mode = #tpu.pipeline_mode<synchronous>, transform_indices = @transform_6, window_bounds = array<i64: 1, 128>}, {transform_indices = @transform_7, window_bounds = array<i64: 2000, 128>}]} {
    %get3A = arith.constant 0 : index
    %get3A_0 = arith.constant 0 : index
    %get3A_1 = arith.constant 0 : index
    %get3A_2 = vector.load %arg1[%get3A, %get3A_0, %get3A_1] : memref<2x2000x128xf32, #tpu.memory_space<vmem>>, vector<1x2000x128xf32>
    %get3A_3 = vector.shape_cast %get3A_2 : vector<1x2000x128xf32> to vector<2000x128xf32>
    %get3A_4 = arith.constant 1 : index
    %get3A_5 = arith.constant 0 : index
    %get3A_6 = arith.constant 0 : index
    %get3A_7 = vector.load %arg1[%get3A_4, %get3A_5, %get3A_6] : memref<2x2000x128xf32, #tpu.memory_space<vmem>>, vector<1x2000x128xf32>
    %get3A_8 = vector.shape_cast %get3A_7 : vector<1x2000x128xf32> to vector<2000x128xf32>
    %add3A = arith.addf %get3A_3, %get3A_8 : vector<2000x128xf32>
    %get3A_9 = arith.constant 0 : index
    %get3A_10 = arith.constant 0 : index
    %get3A_11 = vector.load %arg3[%get3A_9, %get3A_10] : memref<128x128xf32, #tpu.memory_space<vmem>>, vector<128x128xf32>
    %dot_general3A = arith.constant dense<0.000000e+00> : vector<2000x128xf32>
    %dot_general3A_12 = tpu.matmul %add3A, %get3A_11, %dot_general3A {dimension_numbers = #tpu.dot_dimension_numbers<[1], [0], [0], [1], [0, 0, 1, 1], [], []>, transpose_lhs_hint = false} : vector<2000x128xf32>, vector<128x128xf32>, vector<2000x128xf32> -> vector<2000x128xf32>
    %get3A_13 = arith.constant 0 : index
    %get3A_14 = arith.constant 0 : index
    %get3A_15 = vector.load %arg2[%get3A_13, %get3A_14] : memref<2000x128xf32, #tpu.memory_space<vmem>>, vector<2000x128xf32>
    %add3A_16 = arith.addf %dot_general3A_12, %get3A_15 : vector<2000x128xf32>
    %get3A_17 = arith.constant 0 : index
    %get3A_18 = arith.constant 0 : index
    %get3A_19 = vector.load %arg4[%get3A_17, %get3A_18] : memref<128x256xf32, #tpu.memory_space<vmem>>, vector<128x256xf32>
    %dot_general3A_20 = arith.constant dense<0.000000e+00> : vector<2000x256xf32>
    %dot_general3A_21 = tpu.matmul %add3A_16, %get3A_19, %dot_general3A_20 {dimension_numbers = #tpu.dot_dimension_numbers<[1], [0], [0], [1], [0, 0, 1, 1], [], []>, transpose_lhs_hint = false} : vector<2000x128xf32>, vector<128x256xf32>, vector<2000x256xf32> -> vector<2000x256xf32>
    %get3A_22 = arith.constant 0 : index
    %get3A_23 = arith.constant 0 : index
    %get3A_24 = vector.load %arg5[%get3A_22, %get3A_23] : memref<1x256xf32, #tpu.memory_space<vmem>>, vector<1x256xf32>
    %add3A_25 = vector.broadcast %get3A_24 : vector<1x256xf32> to vector<2000x256xf32>
    %add3A_26 = arith.addf %dot_general3A_21, %add3A_25 : vector<2000x256xf32>
    %max3A = arith.constant 0.000000e+00 : f32
    %max3A_27 = vector.broadcast %max3A : f32 to vector<2000x256xf32>
    %max3A_28 = arith.maximumf %add3A_26, %max3A_27 : vector<2000x256xf32>
    %get3A_29 = arith.constant 0 : index
    %get3A_30 = arith.constant 0 : index
    %get3A_31 = vector.load %arg6[%get3A_29, %get3A_30] : memref<256x128xf32, #tpu.memory_space<vmem>>, vector<256x128xf32>
    %dot_general3A_32 = arith.constant dense<0.000000e+00> : vector<2000x128xf32>
    %dot_general3A_33 = tpu.matmul %max3A_28, %get3A_31, %dot_general3A_32 {dimension_numbers = #tpu.dot_dimension_numbers<[1], [0], [0], [1], [0, 0, 1, 1], [], []>, transpose_lhs_hint = false} : vector<2000x256xf32>, vector<256x128xf32>, vector<2000x128xf32> -> vector<2000x128xf32>
    %get3A_34 = arith.constant 0 : index
    %get3A_35 = arith.constant 0 : index
    %get3A_36 = vector.load %arg7[%get3A_34, %get3A_35] : memref<1x128xf32, #tpu.memory_space<vmem>>, vector<1x128xf32>
    %add3A_37 = vector.broadcast %get3A_36 : vector<1x128xf32> to vector<2000x128xf32>
    %add3A_38 = arith.addf %dot_general3A_33, %add3A_37 : vector<2000x128xf32>
    %logistic3A = arith.negf %add3A_38 : vector<2000x128xf32>
    %logistic3A_39 = math.exp %logistic3A : vector<2000x128xf32>
    %logistic3A_40 = arith.constant 1.000000e+00 : f32
    %logistic3A_41 = vector.broadcast %logistic3A_40 : f32 to vector<2000x128xf32>
    %logistic3A_42 = arith.addf %logistic3A_41, %logistic3A_39 : vector<2000x128xf32>
    %logistic3A_43 = arith.divf %logistic3A_41, %logistic3A_42 : vector<2000x128xf32>
    %swap3A = arith.constant 0 : index
    %swap3A_44 = arith.constant 0 : index
    %swap3A_45 = vector.load %arg8[%swap3A, %swap3A_44] : memref<2000x128xf32, #tpu.memory_space<vmem>>, vector<2000x128xf32>
    tpu.vector_store %arg8[%swap3A, %swap3A_44], %logistic3A_43 {strides = array<i32>} : memref<2000x128xf32, #tpu.memory_space<vmem>>, vector<2000x128xf32>,
    return
  }
  func.func @transform_0(%arg0: i32) -> (i32, i32, i32) {
    %c0_i32 = arith.constant 0 : i32
    %c0_i32_0 = arith.constant 0 : i32
    %c0_i32_1 = arith.constant 0 : i32
    return %c0_i32, %arg0, %c0_i32_0 : i32, i32, i32
  }
  func.func @transform_1(%arg0: i32) -> (i32, i32) {
    %c0_i32 = arith.constant 0 : i32
    %c0_i32_0 = arith.constant 0 : i32
    return %arg0, %c0_i32 : i32, i32
  }
  func.func @transform_2(%arg0: i32) -> (i32, i32) {
    %c0_i32 = arith.constant 0 : i32
    %c0_i32_0 = arith.constant 0 : i32
    %c0_i32_1 = arith.constant 0 : i32
    return %c0_i32, %c0_i32_0 : i32, i32
  }
  func.func @transform_3(%arg0: i32) -> (i32, i32) {
    %c0_i32 = arith.constant 0 : i32
    %c0_i32_0 = arith.constant 0 : i32
    %c0_i32_1 = arith.constant 0 : i32
    return %c0_i32, %c0_i32_0 : i32, i32
  }
  func.func @transform_4(%arg0: i32) -> (i32, i32) {
    %c0_i32 = arith.constant 0 : i32
    %c0_i32_0 = arith.constant 0 : i32
    %c0_i32_1 = arith.constant 0 : i32
    return %c0_i32, %c0_i32_0 : i32, i32
  }
  func.func @transform_5(%arg0: i32) -> (i32, i32) {
    %c0_i32 = arith.constant 0 : i32
    %c0_i32_0 = arith.constant 0 : i32
    %c0_i32_1 = arith.constant 0 : i32
    return %c0_i32, %c0_i32_0 : i32, i32
  }
  func.func @transform_6(%arg0: i32) -> (i32, i32) {
    %c0_i32 = arith.constant 0 : i32
    %c0_i32_0 = arith.constant 0 : i32
    %c0_i32_1 = arith.constant 0 : i32
    return %c0_i32, %c0_i32_0 : i32, i32
  }
  func.func @transform_7(%arg0: i32) -> (i32, i32) {
    %c0_i32 = arith.constant 0 : i32
    %c0_i32_0 = arith.constant 0 : i32
    return %arg0, %c0_i32 : i32, i32
  }
}

</mosaic_0001>

<sc_bundles>
// kernel: kernel.5.cloned.1.call-start
scs
__scs_entry_jumppad:
0x0: {  	(pc) =	sbr.rel $0x88, $3  }
0x1: {  	(tag) =	ssettag $0x0;
	lr =	simm.s32 $0x1  }
0x2: {  	[smem:$0x3F98] =	sst lr;
	_ =	strace $0xD0000000  }
0x3: {  	_ = 	snop  }
0x4: {  	_ = 	snop  }
0x5: {  	_ = 	snop  }
0x6: {  	_ = 	snop  }
0x7: {  	_ = 	snop  }
__scs_overlays_trampoline_lowered:
0x8: {  	[smem:$0x3FA7] =	sst s0  }
0x9: {  	[smem:$0x3FA8] =	sst s1  }
0xa: {  	[smem:$0x3FA9] =	sst s2  }
0xb: {  	[smem:$0x3FAA] =	sst s3  }
0xc: {  	[smem:$0x3FAB] =	sst s4  }
0xd: {  	[smem:$0x3FAC] =	sst s5  }
0xe: {  	[smem:$0x3FAD] =	sst s6  }
0xf: {  	[smem:$0x3FAE] =	sst s7  }
0x10: {  	[smem:$0x3FAF] =	sst s8  }
0x11: {  	[smem:$0x3FB0] =	sst s9;
	s0 =	simm.s32 @!p0 $0x0  }
0x12: {  	s1 =	sld [smem:$0x3F96];
	s0 =	simm.s32 @p0 $0x1  }
0x13: {  	[smem:$0x3FB1] =	sst s0;
	s0 =	simm.s32 @!p1 $0x0  }
0x14: {  	s2 =	sld [smem:$0x3F95];
	s0 =	simm.s32 @p1 $0x1  }
0x15: {  	[smem:$0x3FB2] =	sst s0;
	s0 =	simm.s32 @!p2 $0x0  }
0x16: {  	s3 =	sld [smem:$0x3FDB];
	s0 =	simm.s32 @p2 $0x1  }
0x17: {  	s4 =	simm.s32 $0x1BF5;
	[smem:$0x3FB4] =	sst s0  }
0x18: {  	s0 =	sld [smem:$0x3F97];
	_ =	swait.ge [sflag:s4], $0x0  }
0x19: {  	s7 =	sld [smem:$0x3F98]  }
0x1a: {  	s8 =	sadd.s32 $0xFFFFE003, lr  }
0x1b: {  	s9 =	sadd.s32 $0xFFFFFEF7, lr;
	s5 =	simm.s32 $0xFFFFFFFF;
	p2 =	slt.u32 s8, $0xFFFFF086  }
0x1c: {  	p1 =	slt.u32 s9, $0xF7A;
	s5 =	simm.s32 @!p2 $0x0  }
0x1d: {  	s5 =	simm.s32 @p1 $0x1;
	p0 =	seq.s32 s7, s2  }
0x1e: {  	s7 =	smul.u32 @!p0 $0xF7A, s2;
	p2 =	seq.s32 @!p0 s5, $0x0  }
0x1f: {  	s9 =	smul.u32 $0xF7A, s1;
	s8 =	simm.s32 @!p0 $0x1BF5;
	p2 =	por !p2, p0  }
0x20: {  	[sflag:s8] =	ssyncset.s32 @!p0 $0xFFFFF086;
	s6 =	sadd.s32 @!p0 s3, s7;
	s7 =	simm.s32 @!p0 $0x108  }
0x21: {  	s3 =	sadd.s32 s3, s9;
	s6 =	sadd.s32 @!p0 $0x88, s6;
	s7 =	simm.s32 @p2 $0x1082  }
0x22: {  	[simem:s7], [sflag:s8] =	dma.local @!p0 [hbm:s6], $0xF7A  }
0x23: {  	s9 =	sor.u32 $0xD0000000, s2;
	s6 =	simm.s32 $0x108;
	_ =	swait.ge @!p0 [sflag:s8], $0x0  }
0x24: {  	s3 =	sadd.s32 $0x88, s3;
	s6 =	simm.s32 @!p1 $0x1082;
	[sflag:s4] =	ssyncset.s32 $0xFFFFF086  }
0x25: {  	[simem:s6], [sflag:s4] =	dma.local [hbm:s3], $0xF7A  }
0x26: {  	[smem:$0x3F98] =	sst s1;
	(tag) =	ssettag s2;
	_ =	strace s9  }
0x27: {  	s1 =	sld [smem:$0x3FA8]  }
0x28: {  	s2 =	sld [smem:$0x3FA9]  }
0x29: {  	s4 =	sld [smem:$0x3FAB]  }
0x2a: {  	p0 =	seq.s32 s5, $0x0;
	s5 =	sld [smem:$0x3FAC]  }
0x2b: {  	s6 =	sld [smem:$0x3FAD]  }
0x2c: {  	s7 =	sld [smem:$0x3FAE]  }
0x2d: {  	s3 =	simm.s32 $0x108;
	s8 =	sld [smem:$0x3FAF]  }
0x2e: {  	s3 =	simm.s32 @!p0 $0x1082;
	s9 =	sld [smem:$0x3FB0]  }
0x2f: {  	lr =	sadd.s32 s0, s3;
	s0 =	sld [smem:$0x3FA7]  }
0x30: {  	s3 =	sld [smem:$0x3FAA]  }
0x31: {  	[smem:$0x3FB3] =	sst s10  }
0x32: {  	s10 =	sld [smem:$0x3FB1];
	_ =	sdelay $0x3  }
0x33: {  	p0 =	seq.s32 s10, $0x1;
	s10 =	sld [smem:$0x3FB3];
	_ =	sdelay $0x3  }
0x34: {  	[smem:$0x3FB3] =	sst s10  }
0x35: {  	s10 =	sld [smem:$0x3FB2];
	_ =	sdelay $0x3  }
0x36: {  	p1 =	seq.s32 s10, $0x1;
	s10 =	sld [smem:$0x3FB3];
	_ =	sdelay $0x3  }
0x37: {  	[smem:$0x3FB3] =	sst s10  }
0x38: {  	s10 =	sld [smem:$0x3FB4]  }
0x39: {  	_ = 	snop;
	(pc) =	sbr.ind lr, $3  }
0x3a: {  	_ = 	snop  }
0x3b: {  	_ = 	snop  }
0x3c: {  	p2 =	seq.s32 s10, $0x1;
	s10 =	sld [smem:$0x3FB3]  }
0x3d: {  	_ =	shalt  }
0x3e: {  	_ =	shalt  }
0x3f: {  	_ =	shalt  }
0x40: {  	_ =	shalt  }
0x41: {  	_ =	shalt  }
0x42: {  	_ =	shalt  }
0x43: {  	_ =	shalt  }
0x44: {  	_ =	shalt  }
0x45: {  	_ =	shalt  }
0x46: {  	_ =	shalt  }
0x47: {  	_ =	shalt  }
0x48: {  	_ =	shalt  }
0x49: {  	_ =	shalt  }
0x4a: {  	_ =	shalt  }
0x4b: {  	_ =	shalt  }
0x4c: {  	_ =	shalt  }
0x4d: {  	_ =	shalt  }
0x4e: {  	_ =	shalt  }
0x4f: {  	_ =	shalt  }
0x50: {  	_ =	shalt  }
0x51: {  	_ =	shalt  }
0x52: {  	_ =	shalt  }
0x53: {  	_ =	shalt  }
0x54: {  	_ =	shalt  }
0x55: {  	_ =	shalt  }
0x56: {  	_ =	shalt  }
0x57: {  	_ =	shalt  }
0x58: {  	_ =	shalt  }
0x59: {  	_ =	shalt  }
0x5a: {  	_ =	shalt  }
0x5b: {  	_ =	shalt  }
0x5c: {  	_ =	shalt  }
0x5d: {  	_ =	shalt  }
0x5e: {  	_ =	shalt  }
0x5f: {  	_ =	shalt  }
0x60: {  	_ =	shalt  }
0x61: {  	_ =	shalt  }
0x62: {  	_ =	shalt  }
0x63: {  	_ =	shalt  }
0x64: {  	_ =	shalt  }
0x65: {  	_ =	shalt  }
0x66: {  	_ =	shalt  }
0x67: {  	_ =	shalt  }
0x68: {  	_ =	shalt  }
0x69: {  	_ =	shalt  }
0x6a: {  	_ =	shalt  }
0x6b: {  	_ =	shalt  }
0x6c: {  	_ =	shalt  }
0x6d: {  	_ =	shalt  }
0x6e: {  	_ =	shalt  }
0x6f: {  	_ =	shalt  }
0x70: {  	_ =	shalt  }
0x71: {  	_ =	shalt  }
0x72: {  	_ =	shalt  }
0x73: {  	_ =	shalt  }
0x74: {  	_ =	shalt  }
0x75: {  	_ =	shalt  }
0x76: {  	_ =	shalt  }
0x77: {  	_ =	shalt  }
0x78: {  	_ =	shalt  }
0x79: {  	_ =	shalt  }
0x7a: {  	_ =	shalt  }
0x7b: {  	_ =	shalt  }
0x7c: {  	_ =	shalt  }
0x7d: {  	_ =	shalt  }
0x7e: {  	_ =	shalt  }
0x7f: {  	_ =	shalt  }
0x80: {  	_ =	shalt  }
0x81: {  	_ =	shalt  }
0x82: {  	_ =	shalt  }
0x83: {  	_ =	shalt  }
0x84: {  	_ =	shalt  }
0x85: {  	_ =	shalt  }
0x86: {  	_ =	shalt  }
0x87: {  	_ =	shalt  }
.Lfunc_end0:
.L_simem_size_0:
called_computation_lowered:
.L_overlay_start_0:
0x88: {  	s2 =	sld [smem:$0x3FD9]  }
0x89: {  	s3 =	sld [smem:$0x3FFE];
	_ =	sdelay $0x1  }
0x8a: {  	s1 =	srdreg.scid  }
0x8b: {  	s0 =	sand.u32 $0x1, s1  }
0x8c: {  	s17 =	sshll.u32 s0, $0xA;
	s2 =	sadd.s32 s3, s2  }
0x8d: {  	s2 =	sadd.s32 s2, s17  }
0x8e: {  	[smem:$0x3FBF] =	sst s2  }
0x8f: {  	_ = 	snop  }
0x90: {  	s2 =	sld [smem:$0x3FC9];
	(tm) =	ssettm $0x1  }
0x91: {  	s18 =	sld [smem:$0x3FFB];
	_ =	sdelay $0x3  }
0x92: {  	_ =	strace s18  }
0x93: {  	s3 =	sld [smem:$0x3FFC];
	_ =	sdelay $0x3  }
0x94: {  	_ =	strace s3  }
0x95: {  	s3 =	sld [smem:$0x3FFD];
	_ =	sdelay $0x3  }
0x96: {  	_ =	strace s3  }
0x97: {  	_ =	strace $0x8FFFFFFF  }
0x98: {  	s19 =	sld [smem:$0x3FDB];
	_ =	sdelay $0x1  }
0x99: {  	s4 =	simm.s32 $_scs_section_size  }
0x9a: {  	s5 =	simm.s32 $_size__tile_overlayer_lowered;
	s6 =	simm.s32 $_tile_overlayer_lowered  }
0x9b: {  	s22 =	simm.s32 $0x1BFF;
	s21 =	sshll.u32 s6, $0x1;
	s3 =	sadd.s32 s4, s19  }
0x9c: {  	s7 =	simm.s32 $0x0;
	s20 =	sshll.u32 s5, $0x1;
	s5 =	sadd.s32 s21, s3  }
0x9d: {  	[timem:s7], [sflag:s22] =	dma.local [hbm:s5], s20  }
0x9e: {  	_ =	swait.ge [sflag:s22], s20  }
0x9f: {  	s4 =	ssub.s32 $0x0, s20;
	[sflag:s22] =	ssyncset.done $0x0  }
0xa0: {  	[sflag:s22] =	ssyncadd.s32 s4;
	_ =	sdelay $0x1  }
0xa1: {  	s23 =	simm.s32 $0x1B8B  }
0xa2: {  	_ =	swait.ge [sflag:s23], $0x1  }
0xa3: {  	[sflag:s23] =	ssyncset.done $0x0  }
0xa4: {  	s25 =	simm.s32 $0x1B8E;
	s24 =	sld [smem:$0x3FFE];
	[sflag:s23] =	ssyncadd.s32 $0xFFFFFFFF  }
0xa5: {  	s26 =	simm.s32 $execute0_lowered;
	[smem:$0x3FD2] =	sst s25  }
0xa6: {  	s5 =	sshll.u32 s26, $0x1;
	_ =	strace $0x80000046;
	[dreg:$0x1] =	wrdreg $0xFFFFFFFF  }
0xa7: {  	s28 =	simm.s32 $_size_execute0_lowered;
	s3 =	sadd.s32 s3, s5;
	[dreg:$0x0] =	wrdreg $0x0  }
0xa8: {  	s5 =	sshll.u32 s28, $0x1;
	[dreg:$0x2] =	wrdreg s3  }
0xa9: {  	[dreg:$0x3] =	wrdreg s5  }
0xaa: {  	[dreg:$0x4] =	wrdreg $0xC0  }
0xab: {  	_ =	task [dreg:s7], $0x5FFFF  }
0xac: {  	[dreg:$0x1] =	wrdreg $0xFFFFFFFF  }
0xad: {  	[dreg:$0x0] =	wrdreg $0x60  }
0xae: {  	[dreg:$0x2] =	wrdreg s2  }
0xaf: {  	[dreg:$0x3] =	wrdreg s24  }
0xb0: {  	[dreg:$0x4] =	wrdreg $0x9C000  }
0xb1: {  	[dreg:$0x5] =	wrdreg $0x9  }
0xb2: {  	_ =	task.clear_ibuf [dreg:s7], $0x6FFFF;
	_ =	strace $0x90000046  }
0xb3: {  	s29 =	simm.s32 $0x9;
	_ =	strace $0x80000048  }
0xb4: {  	_ =	swait.ge [sflag:s29], $0x1  }
0xb5: {  	[sflag:s29] =	ssyncadd.s32 $0xFFFFFFFF  }
0xb6: {  	_ =	strace $0x90000048  }
0xb7: {  	_ =	sfence  }
0xb8: {  	s30 =	sld [smem:$0x0];
	_ =	sdelay $0x2  }
0xb9: {  	s31 =	sshll.u32 s1, $0xD;
	s1 =	sshrl.u32 s1, $0x2  }
0xba: {  	s3 =	sand.u32 $0x4000, s31;
	s1 =	sadd.s32 s1, s30  }
0xbb: {  	s0 =	sor.u32 s3, s0;
	s1 =	sshll.u32 s1, $0x11  }
0xbc: {  	s0 =	sor.u32 s1, s0  }
0xbd: {  	s0 =	sadd.s32 $0x8F2B, s0  }
0xbe: {  	[sflag:s0] =	ssyncadd.remote.s32 $0x1  }
0xbf: {  	_ =	sfence.sel $0xFFFF  }
0xc0: {  	[dreg:$0x0] =	wrdreg $0xFFFFFFFF;
	(pc) =	sbr.abs _section_cstart, $3  }
0xc1: {  	[dreg:$0x1] =	wrdreg $0xFFFFFFFF  }
0xc2: {  	_ =	task.clear_ibuf [dreg:s7], $0x2FFFF;
	_ =	strace $0x9FFFFFFF  }
0xc3: {  	(tm) =	ssettm $0x7FFFFFFF  }
tec
execute0_lowered:
.L_overlay_start_1:
0x0: {  	(tag) =	ssettag $0x1  }
0x1: {  	s8 =	stileid.u32  }
0x2: {  	s1 =	rddreg [dreg:$0x0];
	s20 =	smul.u32 $0x4E000, s8  }
0x3: {  	s2 =	rddreg [dreg:$0x2];
	s4 =	simm.s32 $0x0  }
0x4: {  	[smem:$0x7FF] =	sst s4;
	s4 =	sshrl.u32 s20, $0x2  }
0x5: {  	s0 =	rddreg [dreg:$0x1];
	s22 =	sadd.s32 s4, s2  }
0x6: {  	_ =	strace $0x80000047;
	s24 =	sadd.s32 $0x800, s22;
	[dreg:$0x4] =	wrdreg s22  }
0x7: {  	s25 =	sadd.s32 $0x1000, s22;
	[dreg:$0x5] =	wrdreg s24  }
0x8: {  	s26 =	sadd.s32 $0x1800, s22;
	[dreg:$0x6] =	wrdreg s25  }
0x9: {  	s9 =	sadd.s32 $0x2000, s22;
	[dreg:$0x7] =	wrdreg s26  }
0xa: {  	s10 =	sadd.s32 $0x2800, s22;
	[dreg:$0x8] =	wrdreg s9  }
0xb: {  	s11 =	sadd.s32 $0x3000, s22;
	[dreg:$0x9] =	wrdreg s10  }
0xc: {  	s3 =	srdreg.scid;
	s13 =	sadd.s32 $0x4000, s22;
	[dreg:$0xa] =	wrdreg s11  }
0xd: {  	s3 =	sand.u32 $0x1, s3;
	s14 =	sadd.s32 $0x4800, s22;
	[dreg:$0xc] =	wrdreg s13  }
0xe: {  	s5 =	sadd.s32 $0x1C00, s0;
	s15 =	sadd.s32 $0x5000, s22;
	[dreg:$0xd] =	wrdreg s14  }
0xf: {  	s0 =	sadd.s32 $0x47C00, s0;
	s16 =	sadd.s32 $0x5800, s22;
	[dreg:$0xe] =	wrdreg s15  }
0x10: {  	s21 =	sshll.u32 s8, $0x1;
	s17 =	sadd.s32 $0x6000, s22;
	[dreg:$0xf] =	wrdreg s16  }
0x11: {  	s6 =	ssub.s32 $0x2, s3;
	s18 =	sadd.s32 $0x6800, s22;
	[dreg:$0x10] =	wrdreg s17  }
0x12: {  	s7 =	sshrl.u32 s6, $0x1;
	s19 =	sadd.s32 $0x7000, s22;
	[dreg:$0x11] =	wrdreg s18  }
0x13: {  	s6 =	ssub.s32 s6, s7;
	s20 =	sadd.s32 $0x7800, s22;
	[dreg:$0x12] =	wrdreg s19  }
0x14: {  	s23 =	sor.u32 s3, s21;
	s21 =	smax.u32 s6, $0x1;
	[dreg:$0x14] =	wrdreg s20  }
0x15: {  	s12 =	smul.u32 $0x13800, s8;
	s4 =	sadd.s32 $0xA000, s22;
	[dreg:$0x16] =	wrdreg s21  }
0x16: {  	s3 =	smul.u32 $0x138800, s3;
	s6 =	sadd.s32 $0xA800, s22;
	[dreg:$0x1b] =	wrdreg s4  }
0x17: {  	p0 =	sne.s32 s8, $0x0;
	s8 =	sadd.s32 $0xB800, s22;
	[dreg:$0x1c] =	wrdreg s6  }
0x18: {  	s7 =	sadd.s32 s12, s3;
	s12 =	sadd.s32 $0xD800, s22;
	[dreg:$0x1e] =	wrdreg s8  }
0x19: {  	s7 =	sshrl.u32 s7, $0x3;
	s9 =	sadd.s32 $0x3800, s22;
	[smem:$0x7F1] =	sst s12  }
0x1a: {  	s7 =	sadd.s32 s0, s7;
	[dreg:$0xb] =	wrdreg s9  }
0x1b: {  	s24 =	sadd.s32 $0x8000, s22;
	[dreg:$0x13] =	wrdreg s7  }
0x1c: {  	s25 =	sadd.s32 $0x8800, s22;
	[dreg:$0x17] =	wrdreg s24  }
0x1d: {  	s3 =	sshrl.u32 s3, $0x3;
	s26 =	sadd.s32 $0x9000, s22;
	[dreg:$0x18] =	wrdreg s25  }
0x1e: {  	s0 =	sadd.s32 s0, s3;
	s3 =	sadd.s32 $0x9800, s22;
	[dreg:$0x19] =	wrdreg s26  }
0x1f: {  	s10 =	sadd.s32 $0xC800, s22;
	[dreg:$0x1a] =	wrdreg s3  }
0x20: {  	s29 =	simm.s32 $0x28;
	s11 =	sadd.s32 $0xD000, s22;
	[smem:$0x7EF] =	sst s10  }
0x21: {  	s30 =	simm.s32 $0x3800;
	s13 =	sadd.s32 $0xE000, s22;
	[smem:$0x7F0] =	sst s11  }
0x22: {  	s28 =	simm.s32 $0x3400;
	s14 =	sadd.s32 $0xE800, s22;
	[smem:$0x7F2] =	sst s13  }
0x23: {  	s31 =	simm.s32 $0x3480;
	s15 =	sadd.s32 $0xF000, s22;
	[smem:$0x7F3] =	sst s14  }
0x24: {  	s23 =	smul.u32 $0x8C00, s23;
	s16 =	sadd.s32 $0xF800, s22;
	[smem:$0x7F4] =	sst s15  }
0x25: {  	s17 =	sadd.s32 $0x10000, s22;
	s18 =	sadd.s32 $0x10800, s22;
	[smem:$0x7F5] =	sst s16  }
0x26: {  	s19 =	sadd.s32 $0x11000, s22;
	s20 =	sadd.s32 $0x11800, s22;
	[smem:$0x7F6] =	sst s17  }
0x27: {  	s21 =	sadd.s32 $0x12000, s22;
	s8 =	simm.s32 $0x7400;
	[smem:$0x7F7] =	sst s18  }
0x28: {  	s12 =	simm.s32 $0x2;
	s6 =	simm.s32 $0x3380;
	[smem:$0x7F8] =	sst s19  }
0x29: {  	s0 =	sadd.s32 $0x27000, s0;
	s7 =	sadd.s32 $0xB000, s22;
	[smem:$0x7F9] =	sst s20  }
0x2a: {  	s9 =	sadd.s32 $0xC000, s22;
	[smem:$0x7FA] =	sst s21;
	s24 =	sadd.s32 $0x12800, s22  }
0x2b: {  	s25 =	sadd.s32 $0x13000, s22;
	s26 =	sadd.s32 $0x138000, s2;
	s3 =	simm.s32 $0x6000  }
0x2c: {  	s10 =	simm.s32 $0x8800;
	s11 =	simm.s32 $0x1;
	[dreg:$0x15] =	wrdreg s0  }
0x2d: {  	s13 =	simm.s32 $0x3;
	s14 =	simm.s32 $0x4;
	[dreg:$0x1d] =	wrdreg s7  }
0x2e: {  	s15 =	simm.s32 $0x5;
	s16 =	simm.s32 $0x6;
	[dreg:$0x1f] =	wrdreg s9  }
0x2f: {  	s17 =	simm.s32 $0x7;
	s18 =	simm.s32 $0x8;
	[smem:$0x7FB] =	sst s24  }
0x30: {  	s19 =	simm.s32 $0x9;
	s20 =	simm.s32 $0xA;
	[smem:$0x7FC] =	sst s25  }
0x31: {  	[smem:$0x7FD] =	sst s26;
	s24 =	simm.s32 $0x1D480;
	s25 =	simm.s32 $0xB  }
0x32: {  	v0 =	vimm.f32 $0.0e+00;
	s26 =	simm.s32 $0xC;
	s0 =	simm.s32 $0x4C00;
	s9 =	simm.s32 $0x0  }
.LBB2_1:
0x33: {  	s7 =	simm.s32 $0x0  }
0x34: {  	s4 =	sand.u32 $0x1E00, s7  }
0x35: {  	[smem:$0x7EE] =	sst s9;
	s7 =	sand.u32 $0x70, s7;
	s21 =	sshrl.u32 s4, $0x2  }
0x36: {  	s4 =	simm.s32 $0x40;
	s9 =	sor.u32 s7, s21;
	s7 =	simm.s32 $0x0  }
.LBB2_2:
0x37: {  	p1 =	sne.s32 s4, $0x1FC0  }
0x38: {  	[tilespmem:s9+$0x1D480] =	vst v0;
	s7 =	sadd.s32 $0x10, s7;
	s9 =	smov.u32 s4;
	s4 =	sadd.s32 $0x40, s4  }
.Ltmp0:
0x39: {  	(pc) =	sbr.rel @p1 .LBB2_2-.Ltmp0, $4  }
0x3a: {  	_ = 	snop  }
0x3b: {  	s9 =	sand.u32 $0x1E00, s9  }
0x3c: {  	s21 =	sand.u32 $0x70, s7;
	s9 =	sshrl.u32 s9, $0x2  }
0x3d: {  	s9 =	sor.u32 s21, s9  }
0x3e: {  	[tilespmem:s9+$0x1D480] =	vst v0;
	s4 =	rddreg [dreg:$0x5]  }
0x3f: {  	[spmem:s22] =	stream.linear.scatter [tilespmem:s24], [sflag:$0xB], $0x800, $0x38;
	[tilespmem:$0x1DC80] =	vst v63  }
0x40: {  	s7 =	rddreg [dreg:$0x7]  }
0x41: {  	[spmem:s4] =	stream.linear.scatter [tilespmem:s24], [sflag:$0xB], $0x800, $0x38;
	[tilespmem:$0x1DC80] =	vst v63  }
0x42: {  	s22 =	rddreg [dreg:$0x6]  }
0x43: {  	[spmem:s22] =	stream.linear.scatter [tilespmem:s24], [sflag:$0xB], $0x800, $0x38;
	[tilespmem:$0x1DC80] =	vst v63  }
0x44: {  	s9 =	rddreg [dreg:$0x8]  }
0x45: {  	[spmem:s7] =	stream.linear.scatter [tilespmem:s24], [sflag:$0xB], $0x800, $0x38;
	[tilespmem:$0x1DC80] =	vst v63  }
0x46: {  	s21 =	rddreg [dreg:$0x9]  }
0x47: {  	[spmem:s9] =	stream.linear.scatter [tilespmem:s24], [sflag:$0xB], $0x800, $0x38;
	[tilespmem:$0x1DC80] =	vst v63  }
0x48: {  	s22 =	rddreg [dreg:$0xa]  }
0x49: {  	[spmem:s21] =	stream.linear.scatter [tilespmem:s24], [sflag:$0xB], $0x800, $0x38;
	[tilespmem:$0x1DC80] =	vst v63  }
0x4a: {  	s7 =	rddreg [dreg:$0xb]  }
0x4b: {  	[spmem:s22] =	stream.linear.scatter [tilespmem:s24], [sflag:$0xB], $0x800, $0x38;
	[tilespmem:$0x1DC80] =	vst v63  }
0x4c: {  	s9 =	rddreg [dreg:$0xc]  }
0x4d: {  	[spmem:s7] =	stream.linear.scatter [tilespmem:s24], [sflag:$0xB], $0x800, $0x38;
	[tilespmem:$0x1DC80] =	vst v63  }
0x4e: {  	s21 =	rddreg [dreg:$0xd]  }
0x4f: {  	[spmem:s9] =	stream.linear.scatter [tilespmem:s24], [sflag:$0xB], $0x800, $0x38;
	[tilespmem:$0x1DC80] =	vst v63  }
0x50: {  	s22 =	rddreg [dreg:$0xe]  }
0x51: {  	[spmem:s21] =	stream.linear.scatter [tilespmem:s24], [sflag:$0xB], $0x800, $0x38;
	[tilespmem:$0x1DC80] =	vst v63  }
0x52: {  	s7 =	rddreg [dreg:$0xf]  }
0x53: {  	[spmem:s22] =	stream.linear.scatter [tilespmem:s24], [sflag:$0xB], $0x800, $0x38;
	[tilespmem:$0x1DC80] =	vst v63  }
0x54: {  	s9 =	rddreg [dreg:$0x10]  }
0x55: {  	[spmem:s7] =	stream.linear.scatter [tilespmem:s24], [sflag:$0xB], $0x800, $0x38;
	[tilespmem:$0x1DC80] =	vst v63  }
0x56: {  	s21 =	rddreg [dreg:$0x11]  }
0x57: {  	[spmem:s9] =	stream.linear.scatter [tilespmem:s24], [sflag:$0xB], $0x800, $0x38;
	[tilespmem:$0x1DC80] =	vst v63  }
0x58: {  	s22 =	rddreg [dreg:$0x12]  }
0x59: {  	[spmem:s21] =	stream.linear.scatter [tilespmem:s24], [sflag:$0xB], $0x800, $0x38;
	[tilespmem:$0x1DC80] =	vst v63  }
0x5a: {  	s7 =	rddreg [dreg:$0x14]  }
0x5b: {  	[spmem:s22] =	stream.linear.scatter [tilespmem:s24], [sflag:$0xB], $0x800, $0x38;
	[tilespmem:$0x1DC80] =	vst v63  }
0x5c: {  	s9 =	rddreg [dreg:$0x17]  }
0x5d: {  	[spmem:s7] =	stream.linear.scatter [tilespmem:s24], [sflag:$0xB], $0x800, $0x38;
	[tilespmem:$0x1DC80] =	vst v63  }
0x5e: {  	s21 =	rddreg [dreg:$0x18]  }
0x5f: {  	[spmem:s9] =	stream.linear.scatter [tilespmem:s24], [sflag:$0xB], $0x800, $0x38;
	[tilespmem:$0x1DC80] =	vst v63  }
0x60: {  	s22 =	rddreg [dreg:$0x19]  }
0x61: {  	[spmem:s21] =	stream.linear.scatter [tilespmem:s24], [sflag:$0xB], $0x800, $0x38;
	[tilespmem:$0x1DC80] =	vst v63  }
0x62: {  	s7 =	rddreg [dreg:$0x1a]  }
0x63: {  	[spmem:s22] =	stream.linear.scatter [tilespmem:s24], [sflag:$0xB], $0x800, $0x38;
	[tilespmem:$0x1DC80] =	vst v63  }
0x64: {  	s9 =	rddreg [dreg:$0x1b]  }
0x65: {  	[spmem:s7] =	stream.linear.scatter [tilespmem:s24], [sflag:$0xB], $0x800, $0x38;
	[tilespmem:$0x1DC80] =	vst v63  }
0x66: {  	s21 =	rddreg [dreg:$0x1c]  }
0x67: {  	[spmem:s9] =	stream.linear.scatter [tilespmem:s24], [sflag:$0xB], $0x800, $0x38;
	[tilespmem:$0x1DC80] =	vst v63  }
0x68: {  	s22 =	rddreg [dreg:$0x1d]  }
0x69: {  	[spmem:s21] =	stream.linear.scatter [tilespmem:s24], [sflag:$0xB], $0x800, $0x38;
	[tilespmem:$0x1DC80] =	vst v63  }
0x6a: {  	s7 =	rddreg [dreg:$0x1e]  }
0x6b: {  	[spmem:s22] =	stream.linear.scatter [tilespmem:s24], [sflag:$0xB], $0x800, $0x38;
	[tilespmem:$0x1DC80] =	vst v63  }
0x6c: {  	s9 =	rddreg [dreg:$0x1f]  }
0x6d: {  	[spmem:s7] =	stream.linear.scatter [tilespmem:s24], [sflag:$0xB], $0x800, $0x38;
	[tilespmem:$0x1DC80] =	vst v63  }
0x6e: {  	s21 =	sld [smem:$0x7EF]  }
0x6f: {  	[spmem:s9] =	stream.linear.scatter [tilespmem:s24], [sflag:$0xB], $0x800, $0x38;
	[tilespmem:$0x1DC80] =	vst v63  }
0x70: {  	s22 =	sld [smem:$0x7F0]  }
0x71: {  	[spmem:s21] =	stream.linear.scatter [tilespmem:s24], [sflag:$0xB], $0x800, $0x38;
	[tilespmem:$0x1DC80] =	vst v63  }
0x72: {  	s7 =	sld [smem:$0x7F1]  }
0x73: {  	[spmem:s22] =	stream.linear.scatter [tilespmem:s24], [sflag:$0xB], $0x800, $0x38;
	[tilespmem:$0x1DC80] =	vst v63  }
0x74: {  	s9 =	sld [smem:$0x7F2]  }
0x75: {  	[spmem:s7] =	stream.linear.scatter [tilespmem:s24], [sflag:$0xB], $0x800, $0x38;
	[tilespmem:$0x1DC80] =	vst v63  }
0x76: {  	s21 =	sld [smem:$0x7F3]  }
0x77: {  	[spmem:s9] =	stream.linear.scatter [tilespmem:s24], [sflag:$0xB], $0x800, $0x38;
	[tilespmem:$0x1DC80] =	vst v63  }
0x78: {  	s22 =	sld [smem:$0x7F4]  }
0x79: {  	[spmem:s21] =	stream.linear.scatter [tilespmem:s24], [sflag:$0xB], $0x800, $0x38;
	[tilespmem:$0x1DC80] =	vst v63  }
0x7a: {  	s7 =	sld [smem:$0x7F5]  }
0x7b: {  	[spmem:s22] =	stream.linear.scatter [tilespmem:s24], [sflag:$0xB], $0x800, $0x38;
	[tilespmem:$0x1DC80] =	vst v63  }
0x7c: {  	s9 =	sld [smem:$0x7F6]  }
0x7d: {  	[spmem:s7] =	stream.linear.scatter [tilespmem:s24], [sflag:$0xB], $0x800, $0x38;
	[tilespmem:$0x1DC80] =	vst v63  }
0x7e: {  	s21 =	sld [smem:$0x7F7]  }
0x7f: {  	[spmem:s9] =	stream.linear.scatter [tilespmem:s24], [sflag:$0xB], $0x800, $0x38;
	[tilespmem:$0x1DC80] =	vst v63  }
0x80: {  	s22 =	sld [smem:$0x7F8]  }
0x81: {  	[spmem:s21] =	stream.linear.scatter [tilespmem:s24], [sflag:$0xB], $0x800, $0x38;
	[tilespmem:$0x1DC80] =	vst v63  }
0x82: {  	s7 =	sld [smem:$0x7F9]  }
0x83: {  	[spmem:s22] =	stream.linear.scatter [tilespmem:s24], [sflag:$0xB], $0x800, $0x38;
	[tilespmem:$0x1DC80] =	vst v63  }
0x84: {  	s9 =	sld [smem:$0x7FA]  }
0x85: {  	[spmem:s7] =	stream.linear.scatter [tilespmem:s24], [sflag:$0xB], $0x800, $0x38;
	[tilespmem:$0x1DC80] =	vst v63  }
0x86: {  	s21 =	sld [smem:$0x7FB]  }
0x87: {  	[spmem:s9] =	stream.linear.scatter [tilespmem:s24], [sflag:$0xB], $0x800, $0x38;
	[tilespmem:$0x1DC80] =	vst v63  }
0x88: {  	s22 =	sld [smem:$0x7FC]  }
0x89: {  	[spmem:s21] =	stream.linear.scatter [tilespmem:s24], [sflag:$0xB], $0x800, $0x38;
	[tilespmem:$0x1DC80] =	vst v63  }
0x8a: {  	s7 =	sld [smem:$0x7FD]  }
0x8b: {  	[spmem:s22] =	stream.linear.scatter [tilespmem:s24], [sflag:$0xB], $0x800, $0x38;
	[tilespmem:$0x1DC80] =	vst v63  }
0x8c: {  	s4 =	simm.s32 @!p0 $0x1D480  }
0x8d: {  	[spmem:s7] =	stream.linear.scatter @!p0 [tilespmem:s4], [sflag:$0xC], $0x800, $0x38;
	[tilespmem:$0x1DC80] =	vst v63  }
0x8e: {  	s4 =	simm.s32 @!p0 $0xC  }
0x8f: {  	_ =	swait.ge @!p0 [sflag:s4], $0x800  }
0x90: {  	[sflag:s4] =	ssyncset.done @!p0 $0x0  }
0x91: {  	[sflag:s4] =	ssyncadd.s32 @!p0 $0xFFFFF800  }
0x92: {  	_ =	swait.ge [sflag:s25], $0x800  }
0x93: {  	[sflag:s25] =	ssyncset.done $0x0  }
0x94: {  	[sflag:s25] =	ssyncadd.s32 $0xFFFFF800  }
0x95: {  	_ =	swait.ge [sflag:s25], $0x800  }
0x96: {  	[sflag:s25] =	ssyncset.done $0x0  }
0x97: {  	[sflag:s25] =	ssyncadd.s32 $0xFFFFF800  }
0x98: {  	_ =	swait.ge [sflag:s25], $0x800  }
0x99: {  	[sflag:s25] =	ssyncset.done $0x0  }
0x9a: {  	[sflag:s25] =	ssyncadd.s32 $0xFFFFF800  }
0x9b: {  	_ =	swait.ge [sflag:s25], $0x800  }
0x9c: {  	[sflag:s25] =	ssyncset.done $0x0  }
0x9d: {  	[sflag:s25] =	ssyncadd.s32 $0xFFFFF800  }
0x9e: {  	_ =	swait.ge [sflag:s25], $0x800  }
0x9f: {  	[sflag:s25] =	ssyncset.done $0x0  }
0xa0: {  	[sflag:s25] =	ssyncadd.s32 $0xFFFFF800  }
0xa1: {  	_ =	swait.ge [sflag:s25], $0x800  }
0xa2: {  	[sflag:s25] =	ssyncset.done $0x0  }
0xa3: {  	[sflag:s25] =	ssyncadd.s32 $0xFFFFF800  }
0xa4: {  	_ =	swait.ge [sflag:s25], $0x800  }
0xa5: {  	[sflag:s25] =	ssyncset.done $0x0  }
0xa6: {  	[sflag:s25] =	ssyncadd.s32 $0xFFFFF800  }
0xa7: {  	_ =	swait.ge [sflag:s25], $0x800  }
0xa8: {  	[sflag:s25] =	ssyncset.done $0x0  }
0xa9: {  	[sflag:s25] =	ssyncadd.s32 $0xFFFFF800  }
0xaa: {  	_ =	swait.ge [sflag:s25], $0x800  }
0xab: {  	[sflag:s25] =	ssyncset.done $0x0  }
0xac: {  	[sflag:s25] =	ssyncadd.s32 $0xFFFFF800  }
0xad: {  	_ =	swait.ge [sflag:s25], $0x800  }
0xae: {  	[sflag:s25] =	ssyncset.done $0x0  }
0xaf: {  	[sflag:s25] =	ssyncadd.s32 $0xFFFFF800  }
0xb0: {  	_ =	swait.ge [sflag:s25], $0x800  }
0xb1: {  	[sflag:s25] =	ssyncset.done $0x0  }
0xb2: {  	[sflag:s25] =	ssyncadd.s32 $0xFFFFF800  }
0xb3: {  	_ =	swait.ge [sflag:s25], $0x800  }
0xb4: {  	[sflag:s25] =	ssyncset.done $0x0  }
0xb5: {  	[sflag:s25] =	ssyncadd.s32 $0xFFFFF800  }
0xb6: {  	_ =	swait.ge [sflag:s25], $0x800  }
0xb7: {  	[sflag:s25] =	ssyncset.done $0x0  }
0xb8: {  	[sflag:s25] =	ssyncadd.s32 $0xFFFFF800  }
0xb9: {  	_ =	swait.ge [sflag:s25], $0x800  }
0xba: {  	[sflag:s25] =	ssyncset.done $0x0  }
0xbb: {  	[sflag:s25] =	ssyncadd.s32 $0xFFFFF800  }
0xbc: {  	_ =	swait.ge [sflag:s25], $0x800  }
0xbd: {  	[sflag:s25] =	ssyncset.done $0x0  }
0xbe: {  	[sflag:s25] =	ssyncadd.s32 $0xFFFFF800  }
0xbf: {  	_ =	swait.ge [sflag:s25], $0x800  }
0xc0: {  	[sflag:s25] =	ssyncset.done $0x0  }
0xc1: {  	[sflag:s25] =	ssyncadd.s32 $0xFFFFF800  }
0xc2: {  	_ =	swait.ge [sflag:s25], $0x800  }
0xc3: {  	[sflag:s25] =	ssyncset.done $0x0  }
0xc4: {  	[sflag:s25] =	ssyncadd.s32 $0xFFFFF800  }
0xc5: {  	_ =	swait.ge [sflag:s25], $0x800  }
0xc6: {  	[sflag:s25] =	ssyncset.done $0x0  }
0xc7: {  	[sflag:s25] =	ssyncadd.s32 $0xFFFFF800  }
0xc8: {  	_ =	swait.ge [sflag:s25], $0x800  }
0xc9: {  	[sflag:s25] =	ssyncset.done $0x0  }
0xca: {  	[sflag:s25] =	ssyncadd.s32 $0xFFFFF800  }
0xcb: {  	_ =	swait.ge [sflag:s25], $0x800  }
0xcc: {  	[sflag:s25] =	ssyncset.done $0x0  }
0xcd: {  	[sflag:s25] =	ssyncadd.s32 $0xFFFFF800  }
0xce: {  	_ =	swait.ge [sflag:s25], $0x800  }
0xcf: {  	[sflag:s25] =	ssyncset.done $0x0  }
0xd0: {  	[sflag:s25] =	ssyncadd.s32 $0xFFFFF800  }
0xd1: {  	_ =	swait.ge [sflag:s25], $0x800  }
0xd2: {  	[sflag:s25] =	ssyncset.done $0x0  }
0xd3: {  	[sflag:s25] =	ssyncadd.s32 $0xFFFFF800  }
0xd4: {  	_ =	swait.ge [sflag:s25], $0x800  }
0xd5: {  	[sflag:s25] =	ssyncset.done $0x0  }
0xd6: {  	[sflag:s25] =	ssyncadd.s32 $0xFFFFF800  }
0xd7: {  	_ =	swait.ge [sflag:s25], $0x800  }
0xd8: {  	[sflag:s25] =	ssyncset.done $0x0  }
0xd9: {  	[sflag:s25] =	ssyncadd.s32 $0xFFFFF800  }
0xda: {  	_ =	swait.ge [sflag:s25], $0x800  }
0xdb: {  	[sflag:s25] =	ssyncset.done $0x0  }
0xdc: {  	[sflag:s25] =	ssyncadd.s32 $0xFFFFF800  }
0xdd: {  	_ =	swait.ge [sflag:s25], $0x800  }
0xde: {  	[sflag:s25] =	ssyncset.done $0x0  }
0xdf: {  	[sflag:s25] =	ssyncadd.s32 $0xFFFFF800  }
0xe0: {  	_ =	swait.ge [sflag:s25], $0x800  }
0xe1: {  	[sflag:s25] =	ssyncset.done $0x0  }
0xe2: {  	[sflag:s25] =	ssyncadd.s32 $0xFFFFF800  }
0xe3: {  	_ =	swait.ge [sflag:s25], $0x800  }
0xe4: {  	[sflag:s25] =	ssyncset.done $0x0  }
0xe5: {  	[sflag:s25] =	ssyncadd.s32 $0xFFFFF800  }
0xe6: {  	_ =	swait.ge [sflag:s25], $0x800  }
0xe7: {  	[sflag:s25] =	ssyncset.done $0x0  }
0xe8: {  	[sflag:s25] =	ssyncadd.s32 $0xFFFFF800  }
0xe9: {  	_ =	swait.ge [sflag:s25], $0x800  }
0xea: {  	[sflag:s25] =	ssyncset.done $0x0  }
0xeb: {  	[sflag:s25] =	ssyncadd.s32 $0xFFFFF800  }
0xec: {  	_ =	swait.ge [sflag:s25], $0x800  }
0xed: {  	[sflag:s25] =	ssyncset.done $0x0  }
0xee: {  	[sflag:s25] =	ssyncadd.s32 $0xFFFFF800  }
0xef: {  	_ =	swait.ge [sflag:s25], $0x800  }
0xf0: {  	[sflag:s25] =	ssyncset.done $0x0  }
0xf1: {  	[sflag:s25] =	ssyncadd.s32 $0xFFFFF800  }
0xf2: {  	_ =	swait.ge [sflag:s25], $0x800  }
0xf3: {  	[sflag:s25] =	ssyncset.done $0x0  }
0xf4: {  	[sflag:s25] =	ssyncadd.s32 $0xFFFFF800  }
0xf5: {  	_ =	swait.ge [sflag:s25], $0x800  }
0xf6: {  	[sflag:s25] =	ssyncset.done $0x0  }
0xf7: {  	[sflag:s25] =	ssyncadd.s32 $0xFFFFF800  }
0xf8: {  	_ =	swait.ge [sflag:s25], $0x800  }
0xf9: {  	[sflag:s25] =	ssyncset.done $0x0  }
0xfa: {  	[sflag:s25] =	ssyncadd.s32 $0xFFFFF800  }
0xfb: {  	_ =	swait.ge [sflag:s25], $0x800  }
0xfc: {  	[sflag:s25] =	ssyncset.done $0x0  }
0xfd: {  	[sflag:s25] =	ssyncadd.s32 $0xFFFFF800  }
0xfe: {  	_ =	swait.ge [sflag:s25], $0x800  }
0xff: {  	[sflag:s25] =	ssyncset.done $0x0  }
0x100: {  	[sflag:s25] =	ssyncadd.s32 $0xFFFFF800  }
0x101: {  	_ =	swait.ge [sflag:s25], $0x800  }
0x102: {  	[sflag:s25] =	ssyncset.done $0x0  }
0x103: {  	[sflag:s25] =	ssyncadd.s32 $0xFFFFF800  }
0x104: {  	_ =	swait.ge [sflag:s25], $0x800  }
0x105: {  	[sflag:s25] =	ssyncset.done $0x0  }
0x106: {  	[sflag:s25] =	ssyncadd.s32 $0xFFFFF800  }
0x107: {  	s7 =	simm.s32 $0x0;
	s4 =	simm.s32 $0x0;
	[bflag:$0x0] =	sbarrier.arrive $0xFFFF  }
.LBB2_4:
0x108: {  	s9 =	smul.u32 $0x1C00, s7;
	_ =	sdelay $0x1  }
0x109: {  	s9 =	sadd.s32 s23, s9  }
0x10a: {  	s9 =	sshrl.u32 s9, $0x3  }
0x10b: {  	s9 =	sadd.s32 s5, s9  }
0x10c: {  	[tilespmem:s4], [sflag:$0xC] =	stream.linear.gather [hbm4b:s9+s4], $0x1900, $0x38;
	[tilespmem:$0x1DC80] =	vst v63  }
0x10d: {  	_ =	swait.ge [sflag:s26], $0x1900  }
0x10e: {  	[sflag:s26] =	ssyncset.done $0x0  }
0x10f: {  	s21 =	simm.s32 $0x1C00;
	s9 =	sadd.s32 $0x23000, s9;
	[sflag:s26] =	ssyncadd.s32 $0xFFFFE700  }
0x110: {  	[tilespmem:s21], [sflag:$0xC] =	stream.linear.gather [hbm4b:s9+s4], $0x1900, $0x38;
	[tilespmem:$0x1DC80] =	vst v63  }
0x111: {  	_ =	swait.ge [sflag:s26], $0x1900  }
0x112: {  	[sflag:s26] =	ssyncset.done $0x0  }
0x113: {  	[sflag:s26] =	ssyncadd.s32 $0xFFFFE700  }
0x114: {  	[tilespmem:s30], [sflag:$0x1] =	stream.indirect.gather [hbm4b:s1+s29], $0x80, s4, s29, $0xb8;
	[tilespmem:$0x1DC80] =	vst v63  }
0x115: {  	s22 =	simm.s32 $0x80  }
0x116: {  	[tilespmem:s0], [sflag:$0x2] =	stream.indirect.gather [hbm4b:s1+s29], $0x80, s22, s29, $0xb8;
	[tilespmem:$0x1DC80] =	vst v63  }
0x117: {  	s21 =	simm.s32 $0x100  }
0x118: {  	[tilespmem:s3], [sflag:$0x3] =	stream.indirect.gather [hbm4b:s1+s29], $0x80, s21, s29, $0xb8;
	[tilespmem:$0x1DC80] =	vst v63  }
0x119: {  	s22 =	simm.s32 $0x180  }
0x11a: {  	[tilespmem:s8], [sflag:$0x4] =	stream.indirect.gather [hbm4b:s1+s29], $0x80, s22, s29, $0xb8;
	[tilespmem:$0x1DC80] =	vst v63  }
0x11b: {  	s21 =	simm.s32 $0x200  }
0x11c: {  	[tilespmem:s10], [sflag:$0x5] =	stream.indirect.gather [hbm4b:s1+s29], $0x80, s21, s29, $0xb8;
	[tilespmem:$0x1DC80] =	vst v63  }
0x11d: {  	_ =	swait.ge [sflag:s11], $0x1400  }
0x11e: {  	[sflag:s11] =	ssyncset.done $0x0  }
0x11f: {  	s22 =	simm.s32 $0x1C00;
	[sflag:s11] =	ssyncadd.s32 $0xFFFFEC00  }
0x120: {  	[spmem:s2] =	stream.indirect.scatter.add.f32 [tilespmem:s30], [sflag:$0x6], $0x80, s22, s29, $0xb8;
	[tilespmem:$0x1DC80] =	vst v63  }
0x121: {  	_ =	swait.ge [sflag:s12], $0x1400  }
0x122: {  	[sflag:s12] =	ssyncset.done $0x0  }
0x123: {  	s21 =	simm.s32 $0x1C80;
	[sflag:s12] =	ssyncadd.s32 $0xFFFFEC00  }
0x124: {  	[spmem:s2] =	stream.indirect.scatter.add.f32 [tilespmem:s0], [sflag:$0x7], $0x80, s21, s29, $0xb8;
	[tilespmem:$0x1DC80] =	vst v63  }
0x125: {  	_ =	swait.ge [sflag:s13], $0x1400  }
0x126: {  	[sflag:s13] =	ssyncset.done $0x0  }
0x127: {  	s22 =	simm.s32 $0x1D00;
	[sflag:s13] =	ssyncadd.s32 $0xFFFFEC00  }
0x128: {  	[spmem:s2] =	stream.indirect.scatter.add.f32 [tilespmem:s3], [sflag:$0x8], $0x80, s22, s29, $0xb8;
	[tilespmem:$0x1DC80] =	vst v63  }
0x129: {  	_ =	swait.ge [sflag:s14], $0x1400  }
0x12a: {  	[sflag:s14] =	ssyncset.done $0x0  }
0x12b: {  	s21 =	simm.s32 $0x1D80;
	[sflag:s14] =	ssyncadd.s32 $0xFFFFEC00  }
0x12c: {  	[spmem:s2] =	stream.indirect.scatter.add.f32 [tilespmem:s8], [sflag:$0x9], $0x80, s21, s29, $0xb8;
	[tilespmem:$0x1DC80] =	vst v63  }
0x12d: {  	_ =	swait.ge [sflag:s15], $0x1400  }
0x12e: {  	[sflag:s15] =	ssyncset.done $0x0  }
0x12f: {  	s22 =	simm.s32 $0x1E00;
	[sflag:s15] =	ssyncadd.s32 $0xFFFFEC00  }
0x130: {  	[spmem:s2] =	stream.indirect.scatter.add.f32 [tilespmem:s10], [sflag:$0xA], $0x80, s22, s29, $0xb8;
	[tilespmem:$0x1DC80] =	vst v63  }
0x131: {  	_ =	swait.ge [sflag:s16], $0x1400  }
0x132: {  	[sflag:s16] =	ssyncset.done $0x0  }
0x133: {  	s21 =	simm.s32 $0x280;
	[sflag:s16] =	ssyncadd.s32 $0xFFFFEC00  }
0x134: {  	[tilespmem:s30], [sflag:$0x1] =	stream.indirect.gather [hbm4b:s1+s29], $0x80, s21, s29, $0xb8;
	[tilespmem:$0x1DC80] =	vst v63  }
0x135: {  	_ =	swait.ge [sflag:s17], $0x1400  }
0x136: {  	[sflag:s17] =	ssyncset.done $0x0  }
0x137: {  	s22 =	simm.s32 $0x300;
	[sflag:s17] =	ssyncadd.s32 $0xFFFFEC00  }
0x138: {  	[tilespmem:s0], [sflag:$0x2] =	stream.indirect.gather [hbm4b:s1+s29], $0x80, s22, s29, $0xb8;
	[tilespmem:$0x1DC80] =	vst v63  }
0x139: {  	_ =	swait.ge [sflag:s18], $0x1400  }
0x13a: {  	[sflag:s18] =	ssyncset.done $0x0  }
0x13b: {  	s21 =	simm.s32 $0x380;
	[sflag:s18] =	ssyncadd.s32 $0xFFFFEC00  }
0x13c: {  	[tilespmem:s3], [sflag:$0x3] =	stream.indirect.gather [hbm4b:s1+s29], $0x80, s21, s29, $0xb8;
	[tilespmem:$0x1DC80] =	vst v63  }
0x13d: {  	_ =	swait.ge [sflag:s19], $0x1400  }
0x13e: {  	[sflag:s19] =	ssyncset.done $0x0  }
0x13f: {  	s22 =	simm.s32 $0x400;
	[sflag:s19] =	ssyncadd.s32 $0xFFFFEC00  }
0x140: {  	[tilespmem:s8], [sflag:$0x4] =	stream.indirect.gather [hbm4b:s1+s29], $0x80, s22, s29, $0xb8;
	[tilespmem:$0x1DC80] =	vst v63  }
0x141: {  	_ =	swait.ge [sflag:s20], $0x1400  }
0x142: {  	[sflag:s20] =	ssyncset.done $0x0  }
0x143: {  	s9 =	simm.s32 $0xA00;
	s21 =	simm.s32 $0x480;
	[sflag:s20] =	ssyncadd.s32 $0xFFFFEC00  }
.LBB2_5:
0x144: {  	[tilespmem:s10], [sflag:$0x5] =	stream.indirect.gather [hbm4b:s1+s29], $0x80, s21, s29, $0xb8;
	[tilespmem:$0x1DC80] =	vst v63  }
0x145: {  	s21 =	smov.u32 s9  }
0x146: {  	p1 =	sne.s32 s9, $0x5000;
	s9 =	sadd.s32 $0xA00, s9;
	_ =	swait.ge [sflag:s11], $0x1400  }
0x147: {  	s21 =	sshra.s32 s21, $0x2;
	[sflag:s11] =	ssyncset.done $0x0  }
0x148: {  	s22 =	sadd.s32 $0x1C00, s21;
	[sflag:s11] =	ssyncadd.s32 $0xFFFFEC00  }
0x149: {  	[spmem:s2] =	stream.indirect.scatter.add.f32 [tilespmem:s30], [sflag:$0x6], $0x80, s22, s29, $0xb8;
	[tilespmem:$0x1DC80] =	vst v63  }
0x14a: {  	_ =	swait.ge [sflag:s12], $0x1400  }
0x14b: {  	[sflag:s12] =	ssyncset.done $0x0  }
0x14c: {  	s22 =	sadd.s32 $0x1C80, s21;
	[sflag:s12] =	ssyncadd.s32 $0xFFFFEC00  }
0x14d: {  	[spmem:s2] =	stream.indirect.scatter.add.f32 [tilespmem:s0], [sflag:$0x7], $0x80, s22, s29, $0xb8;
	[tilespmem:$0x1DC80] =	vst v63  }
0x14e: {  	_ =	swait.ge [sflag:s13], $0x1400  }
0x14f: {  	[sflag:s13] =	ssyncset.done $0x0  }
0x150: {  	s22 =	sadd.s32 $0x1D00, s21;
	[sflag:s13] =	ssyncadd.s32 $0xFFFFEC00  }
0x151: {  	[spmem:s2] =	stream.indirect.scatter.add.f32 [tilespmem:s3], [sflag:$0x8], $0x80, s22, s29, $0xb8;
	[tilespmem:$0x1DC80] =	vst v63  }
0x152: {  	_ =	swait.ge [sflag:s14], $0x1400  }
0x153: {  	[sflag:s14] =	ssyncset.done $0x0  }
0x154: {  	s22 =	sadd.s32 $0x1D80, s21;
	[sflag:s14] =	ssyncadd.s32 $0xFFFFEC00  }
0x155: {  	[spmem:s2] =	stream.indirect.scatter.add.f32 [tilespmem:s8], [sflag:$0x9], $0x80, s22, s29, $0xb8;
	[tilespmem:$0x1DC80] =	vst v63  }
0x156: {  	_ =	swait.ge [sflag:s15], $0x1400  }
0x157: {  	[sflag:s15] =	ssyncset.done $0x0  }
0x158: {  	s22 =	sadd.s32 $0x1E00, s21;
	[sflag:s15] =	ssyncadd.s32 $0xFFFFEC00  }
0x159: {  	[spmem:s2] =	stream.indirect.scatter.add.f32 [tilespmem:s10], [sflag:$0xA], $0x80, s22, s29, $0xb8;
	[tilespmem:$0x1DC80] =	vst v63  }
0x15a: {  	_ =	swait.ge [sflag:s16], $0x1400  }
0x15b: {  	[sflag:s16] =	ssyncset.done $0x0  }
0x15c: {  	s22 =	sadd.s32 $0x280, s21;
	[sflag:s16] =	ssyncadd.s32 $0xFFFFEC00  }
0x15d: {  	[tilespmem:s30], [sflag:$0x1] =	stream.indirect.gather [hbm4b:s1+s29], $0x80, s22, s29, $0xb8;
	[tilespmem:$0x1DC80] =	vst v63  }
0x15e: {  	_ =	swait.ge [sflag:s17], $0x1400  }
0x15f: {  	[sflag:s17] =	ssyncset.done $0x0  }
0x160: {  	s22 =	sadd.s32 $0x300, s21;
	[sflag:s17] =	ssyncadd.s32 $0xFFFFEC00  }
0x161: {  	[tilespmem:s0], [sflag:$0x2] =	stream.indirect.gather [hbm4b:s1+s29], $0x80, s22, s29, $0xb8;
	[tilespmem:$0x1DC80] =	vst v63  }
0x162: {  	_ =	swait.ge [sflag:s18], $0x1400  }
0x163: {  	[sflag:s18] =	ssyncset.done $0x0  }
0x164: {  	s22 =	sadd.s32 $0x380, s21;
	[sflag:s18] =	ssyncadd.s32 $0xFFFFEC00  }
0x165: {  	[tilespmem:s3], [sflag:$0x3] =	stream.indirect.gather [hbm4b:s1+s29], $0x80, s22, s29, $0xb8;
	[tilespmem:$0x1DC80] =	vst v63  }
0x166: {  	_ =	swait.ge [sflag:s19], $0x1400  }
0x167: {  	[sflag:s19] =	ssyncset.done $0x0  }
.Ltmp1:
0x168: {  	s22 =	sadd.s32 $0x400, s21;
	[sflag:s19] =	ssyncadd.s32 $0xFFFFEC00;
	(pc) =	sbr.rel @p1 .LBB2_5-.Ltmp1, $4  }
0x169: {  	[tilespmem:s8], [sflag:$0x4] =	stream.indirect.gather [hbm4b:s1+s29], $0x80, s22, s29, $0xb8;
	[tilespmem:$0x1DC80] =	vst v63  }
0x16a: {  	_ =	swait.ge [sflag:s20], $0x1400  }
0x16b: {  	[sflag:s20] =	ssyncset.done $0x0  }
0x16c: {  	s21 =	sadd.s32 $0x480, s21;
	[sflag:s20] =	ssyncadd.s32 $0xFFFFEC00  }
0x16d: {  	[tilespmem:s10], [sflag:$0x5] =	stream.indirect.gather [hbm4b:s1+s29], $0x80, s21, s29, $0xb8;
	[tilespmem:$0x1DC80] =	vst v63  }
0x16e: {  	_ =	swait.ge [sflag:s11], $0x1400  }
0x16f: {  	[sflag:s11] =	ssyncset.done $0x0  }
0x170: {  	s9 =	simm.s32 $0x3280;
	[sflag:s11] =	ssyncadd.s32 $0xFFFFEC00  }
0x171: {  	[spmem:s2] =	stream.indirect.scatter.add.f32 [tilespmem:s30], [sflag:$0x6], $0x80, s9, s29, $0xb8;
	[tilespmem:$0x1DC80] =	vst v63  }
0x172: {  	_ =	swait.ge [sflag:s12], $0x1400  }
0x173: {  	[sflag:s12] =	ssyncset.done $0x0  }
0x174: {  	s22 =	simm.s32 $0x3300;
	[sflag:s12] =	ssyncadd.s32 $0xFFFFEC00  }
0x175: {  	[spmem:s2] =	stream.indirect.scatter.add.f32 [tilespmem:s0], [sflag:$0x7], $0x80, s22, s29, $0xb8;
	[tilespmem:$0x1DC80] =	vst v63  }
0x176: {  	_ =	swait.ge [sflag:s13], $0x1400  }
0x177: {  	[sflag:s13] =	ssyncset.done $0x0  }
0x178: {  	[sflag:s13] =	ssyncadd.s32 $0xFFFFEC00  }
0x179: {  	[spmem:s2] =	stream.indirect.scatter.add.f32 [tilespmem:s3], [sflag:$0x8], $0x80, s6, s29, $0xb8;
	[tilespmem:$0x1DC80] =	vst v63  }
0x17a: {  	_ =	swait.ge [sflag:s14], $0x1400  }
0x17b: {  	[sflag:s14] =	ssyncset.done $0x0  }
0x17c: {  	[sflag:s14] =	ssyncadd.s32 $0xFFFFEC00  }
0x17d: {  	[spmem:s2] =	stream.indirect.scatter.add.f32 [tilespmem:s8], [sflag:$0x9], $0x80, s28, s29, $0xb8;
	[tilespmem:$0x1DC80] =	vst v63  }
0x17e: {  	_ =	swait.ge [sflag:s15], $0x1400  }
0x17f: {  	[sflag:s15] =	ssyncset.done $0x0  }
0x180: {  	[sflag:s15] =	ssyncadd.s32 $0xFFFFEC00  }
0x181: {  	[spmem:s2] =	stream.indirect.scatter.add.f32 [tilespmem:s10], [sflag:$0xA], $0x80, s31, s29, $0xb8;
	[tilespmem:$0x1DC80] =	vst v63  }
0x182: {  	_ =	swait.ge [sflag:s16], $0x1400  }
0x183: {  	[sflag:s16] =	ssyncset.done $0x0  }
0x184: {  	[sflag:s16] =	ssyncadd.s32 $0xFFFFEC00  }
0x185: {  	_ =	swait.ge [sflag:s17], $0x1400  }
0x186: {  	[sflag:s17] =	ssyncset.done $0x0  }
0x187: {  	[sflag:s17] =	ssyncadd.s32 $0xFFFFEC00  }
0x188: {  	_ =	swait.ge [sflag:s18], $0x1400  }
0x189: {  	[sflag:s18] =	ssyncset.done $0x0  }
0x18a: {  	s7 =	sadd.s32 $0x1, s7;
	[sflag:s18] =	ssyncadd.s32 $0xFFFFEC00  }
0x18b: {  	p1 =	sne.s32 s7, $0x5;
	_ =	swait.ge [sflag:s19], $0x1400  }
.Ltmp2:
0x18c: {  	[sflag:s19] =	ssyncset.done $0x0;
	(pc) =	sbr.rel @p1 .LBB2_4-.Ltmp2, $4  }
0x18d: {  	[sflag:s19] =	ssyncadd.s32 $0xFFFFEC00  }
0x18e: {  	_ =	swait.ge [sflag:s20], $0x1400  }
0x18f: {  	[sflag:s20] =	ssyncset.done $0x0  }
0x190: {  	[sflag:s20] =	ssyncadd.s32 $0xFFFFEC00  }
0x191: {  	s4 =	stileid.u32;
	[bflag:$0x0] =	sbarrier.arrive $0xFFFF  }
0x192: {  	s4 =	sshll.u32 s4, $0x6;
	s22 =	rddreg [dreg:$0x4]  }
0x193: {  	s9 =	rddreg [dreg:$0x13];
	s4 =	sor.u32 $0x1C0C, s4;
	s7 =	sshrl.u32 s22, $0x3  }
0x194: {  	[hbm:s9], [sflag:s4] =	dma.local [spmem:s7], $0x2700  }
0x195: {  	_ =	swait.ge [sflag:s26], $0x2700  }
0x196: {  	s7 =	sld [smem:$0x7FD];
	_ =	sdelay $0x1  }
0x197: {  	[sflag:s26] =	ssyncset.done $0x0  }
0x198: {  	s9 =	rddreg [dreg:$0x15];
	[sflag:s26] =	ssyncadd.s32 $0xFFFFD900;
	s7 =	sshrl.u32 @!p0 s7, $0x3  }
0x199: {  	[hbm:s9], [sflag:s4] =	dma.local @!p0 [spmem:s7], $0x100  }
0x19a: {  	s4 =	simm.s32 @!p0 $0xC  }
0x19b: {  	_ =	swait.ge @!p0 [sflag:s4], $0x100  }
0x19c: {  	s7 =	sld [smem:$0x7EE];
	_ =	sdelay $0x2  }
0x19d: {  	s21 =	rddreg [dreg:$0x16];
	s9 =	sadd.s32 $0x1, s7  }
0x19e: {  	p1 =	sne.s32 s9, s21  }
.Ltmp3:
0x19f: {  	_ = 	snop;
	(pc) =	sbr.rel @p1 .LBB2_1-.Ltmp3, $3  }
0x1a0: {  	_ =	sdelay $0x1  }
0x1a1: {  	[sflag:s4] =	ssyncset.done @!p0 $0x0  }
0x1a2: {  	[sflag:s4] =	ssyncadd.s32 @!p0 $0xFFFFFF00  }
0x1a3: {  	_ =	sfence.sel $0x180000  }
0x1a4: {  	[bflag:$0x0] =	sbarrier.arrive $0xFFFF  }
0x1a5: {  	_ =	strace $0x90000047  }
0x1a6: {  	[bflag:$0x2] =	sbarrier.arrive $0xFFFF  }
0x1a7: {  	s0 =	rddreg [dreg:$0x3]  }
0x1a8: {  	s0 =	sadd.s32 @!p0 $0x100000, s0  }
0x1a9: {  	[sflag:s0] =	ssyncadd.tile.s32 @!p0 $0x1;
	_ =	shalt  }
.Lfunc_end2:
_tile_overlayer_lowered:
.L_overlay_start_2:
0x1aa: {  	(tag) =	ssettag $0x2  }
0x1ab: {  	s0 =	rddreg [dreg:$0x0];
	s2 =	stileid.u32  }
0x1ac: {  	s1 =	rddreg [dreg:$0x1];
	p0 =	sne.s32 s2, $0x0  }
0x1ad: {  	s3 =	rddreg [dreg:$0x2];
	[bflag:$0x3] =	sbarrier.arrive $0xFFFF;
	s2 =	simm.s32 @!p0 $0x1C0C  }
0x1ae: {  	[timem:s3], [sflag:s2] =	dma.local @!p0 [hbm:s0], s1  }
0x1af: {  	s0 =	simm.s32 @!p0 $0xC  }
0x1b0: {  	_ =	swait.ge @!p0 [sflag:s0], s1  }
0x1b1: {  	s1 =	ssub.s32 @!p0 $0x0, s1;
	[sflag:s0] =	ssyncset.done @!p0 $0x0  }
0x1b2: {  	[sflag:s0] =	ssyncadd.s32 @!p0 s1  }
0x1b3: {  	[bflag:$0x3] =	sbarrier.arrive $0xFFFF  }
0x1b4: {  	_ =	shalt  }

</sc_bundles>
